<compile_context>
chip_gen: v7x
topology: tpu7x:2x2x1
jax: 0.10.2.dev20260603
libtpu: 0.0.44.dev20260713+nightly
codegen_flags: <defaults>
</compile_context>

<pallas_src>
import functools

import jax
import jax.numpy as jnp
from jax import lax
from jax.experimental import pallas as pl
from jax.experimental.pallas import tpu as pltpu
from jax.experimental.pallas import tpu_sc as plsc

NC = 2
NS = 16
NW = NC * NS
K = 80


def _mesh():
    return plsc.VectorSubcoreMesh(core_axis_name="c", subcore_axis_name="s")


def _deg_call(dst3, ones_hbm, zeros_hbm, n_pad, e):
    ept = e // NW
    nchunks = ept // K
    rows_pt = n_pad // NS

    @functools.partial(
        pl.kernel,
        mesh=_mesh(),
        out_type=jax.ShapeDtypeStruct((NC * n_pad,), jnp.float32),
        scratch_types=[
            pltpu.VMEM((nchunks, K), jnp.int32),
            pltpu.VMEM((K,), jnp.float32),
            pltpu.VMEM_SHARED((n_pad,), jnp.float32),
        ],
    )
    def kfn(dst_hbm, ones_h, zeros_h, out_hbm, di, ones_v, dacc):
        c = lax.axis_index("c")
        s = lax.axis_index("s")
        w = c * NS + s
        pltpu.sync_copy(ones_h, ones_v)
        pltpu.sync_copy(dst_hbm.at[w], di)
        pltpu.sync_copy(zeros_h, dacc.at[pl.ds(s * rows_pt, rows_pt)])
        plsc.subcore_barrier()

        def body(j, carry):
            pltpu.sync_copy(ones_v, dacc.at[di.at[j]], add=True)
            return carry

        lax.fori_loop(0, nchunks, body, 0)
        plsc.subcore_barrier()
        pltpu.sync_copy(
            dacc.at[pl.ds(s * rows_pt, rows_pt)],
            out_hbm.at[pl.ds(c * n_pad + s * rows_pt, rows_pt)],
        )

    return kfn(dst3, ones_hbm, zeros_hbm)


def _scatter_call(u, src3, dst3, zrows_hbm, n_pad, e):
    ept = e // NW
    nchunks = ept // K
    rows_pt = n_pad // NS
    d = u.shape[1]

    @functools.partial(
        pl.kernel,
        mesh=_mesh(),
        out_type=jax.ShapeDtypeStruct((NC, n_pad, d), jnp.float32),
        scratch_types=[
            pltpu.VMEM((nchunks, K), jnp.int32),
            pltpu.VMEM((nchunks, K), jnp.int32),
            pltpu.VMEM((K, d), jnp.float32),
            pltpu.VMEM((16, d), jnp.float32),
            pltpu.VMEM_SHARED((n_pad, d), jnp.float32),
            pltpu.SemaphoreType.DMA,
        ],
    )
    def kfn(u_hbm, src_hbm, dst_hbm, zr_hbm, out_hbm, si, di, rows, zb, acc, sem):
        c = lax.axis_index("c")
        s = lax.axis_index("s")
        w = c * NS + s
        pltpu.sync_copy(src_hbm.at[w], si)
        pltpu.sync_copy(dst_hbm.at[w], di)
        pltpu.sync_copy(zr_hbm, zb)

        def zbody(t, carry):
            pltpu.sync_copy(zb, acc.at[pl.ds(s * rows_pt + t * 16, 16)])
            return carry

        lax.fori_loop(0, rows_pt // 16, zbody, 0)
        plsc.subcore_barrier()

        def body(j, carry):
            pltpu.async_copy(u_hbm.at[si.at[j]], rows, sem).wait()
            pltpu.sync_copy(rows, acc.at[di.at[j]], add=True)
            return carry

        lax.fori_loop(0, nchunks, body, 0)
        plsc.subcore_barrier()

        def wbody(t, carry):
            r0 = s * rows_pt + t * K
            pltpu.sync_copy(acc.at[pl.ds(r0, K)], out_hbm.at[c, pl.ds(r0, K)])
            return carry

        lax.fori_loop(0, rows_pt // K, wbody, 0)

    return kfn(u, src3, dst3, zrows_hbm)


def _edge_call(tcat_flat, sidx3, didx3, stage_idx, te_pad):
    vpt = 2 * (te_pad // NW)
    ck = 128
    nchunks = vpt // ck

    @functools.partial(
        pl.kernel,
        mesh=_mesh(),
        out_type=jax.ShapeDtypeStruct((2 * te_pad,), jnp.float32),
        scratch_types=[
            pltpu.VMEM((nchunks, ck), jnp.int32),
            pltpu.VMEM((nchunks, ck), jnp.int32),
            pltpu.VMEM((ck,), jnp.int32),
            pltpu.VMEM((ck,), jnp.float32),
            pltpu.VMEM((ck,), jnp.float32),
            pltpu.VMEM_SHARED((NS * ck,), jnp.float32),
            pltpu.SemaphoreType.DMA,
            pltpu.SemaphoreType.DMA,
        ],
    )
    def kfn(tab_hbm, src_hbm, dst_hbm, sidx_hbm, out_hbm,
            si, di, aidx, ra, rb, stage, sem_a, sem_b):
        c = lax.axis_index("c")
        s = lax.axis_index("s")
        w = c * NS + s
        pltpu.sync_copy(src_hbm.at[w], si)
        pltpu.sync_copy(dst_hbm.at[w], di)
        pltpu.sync_copy(sidx_hbm.at[s], aidx)
        base = w * vpt

        def body(j, carry):
            cpa = pltpu.async_copy(tab_hbm.at[si.at[j]], ra, sem_a)
            cpb = pltpu.async_copy(tab_hbm.at[di.at[j]], rb, sem_b)
            cpa.wait()
            cpb.wait()
            pltpu.sync_copy(ra, stage.at[pl.ds(s * ck, ck)])
            pltpu.sync_copy(rb, stage.at[aidx], add=True)
            pltpu.sync_copy(stage.at[pl.ds(s * ck, ck)],
                            out_hbm.at[pl.ds(base + j * ck, ck)])
            return carry

        lax.fori_loop(0, nchunks, body, 0)

    return kfn(tcat_flat, sidx3, didx3, stage_idx)


def _scale_matmul_call(x_pad, w, dega, degb):
    def body(x_ref, w_ref, da_ref, db_ref, u_ref):
        dinv = lax.rsqrt(da_ref[...] + db_ref[...] + 1.0)
        xw = jnp.dot(x_ref[...], w_ref[...], preferred_element_type=jnp.float32)
        u_ref[...] = xw * dinv

    return pl.pallas_call(
        body, out_shape=jax.ShapeDtypeStruct(x_pad.shape, jnp.float32)
    )(x_pad, w, dega, degb)


def _final_tc_call(s0, s1, u, dega, degb, b2, wcat, bc4):
    n_pad, d = u.shape

    def body(s0_ref, s1_ref, u_ref, da_ref, db_ref, b_ref, wc_ref, bc_ref,
             o_ref):
        dinv = lax.rsqrt(da_ref[...] + db_ref[...] + 1.0)
        h = jnp.maximum(
            dinv * (s0_ref[...] + s1_ref[...] + u_ref[...]) + b_ref[...], 0.0
        )
        o_ref[...] = (
            jnp.dot(h, wc_ref[...], preferred_element_type=jnp.float32)
            + bc_ref[...]
        )

    return pl.pallas_call(
        body, out_shape=jax.ShapeDtypeStruct((n_pad, 4), jnp.float32)
    )(s0, s1, u, dega, degb, b2, wcat, bc4)


def kernel(x, edge_index, W, b, Wc, bc):
    n, d_in = x.shape
    d_out = W.shape[1]
    e = edge_index.shape[1]
    n_pad = ((n + 16 * NS - 1) // (16 * NS)) * (16 * NS)
    ept = e // NW

    src = edge_index[0]
    dst = edge_index[1]

    neg_key = jax.random.key(42)
    ka, kb = jax.random.split(neg_key)
    neg_src = jax.random.randint(ka, (e,), 0, n, dtype=edge_index.dtype)
    neg_dst = jax.random.randint(kb, (e,), 0, n, dtype=edge_index.dtype)
    all_src = jnp.concatenate([src, neg_src])
    all_dst = jnp.concatenate([dst, neg_dst])

    src3 = src.reshape(NW, ept // K, K)
    dst3 = dst.reshape(NW, ept // K, K)

    te = 2 * e
    ck = 128
    te_pad = ((te + NW * (ck // 2) - 1) // (NW * (ck // 2))) * (NW * (ck // 2))
    asrc = jnp.pad(all_src, (0, te_pad - te))
    adst = jnp.pad(all_dst, (0, te_pad - te))
    two = jnp.arange(2, dtype=jnp.int32)
    sidx3 = (4 * asrc[:, None] + two).reshape(NW, -1, ck)
    didx3 = (4 * adst[:, None] + (two + 2)).reshape(NW, -1, ck)

    ones_k = jnp.ones((K,), jnp.float32)
    zeros_row = jnp.zeros((n_pad // NS,), jnp.float32)
    zeros_16d = jnp.zeros((16, d_out), jnp.float32)

    deg2 = _deg_call(dst3, ones_k, zeros_row, n_pad, e)
    dega = deg2[:n_pad].reshape(n_pad, 1)
    degb = deg2[n_pad:].reshape(n_pad, 1)

    x_pad = jnp.pad(x, ((0, n_pad - n), (0, 0)))
    u = _scale_matmul_call(x_pad, W, dega, degb)

    s2 = _scatter_call(u, src3, dst3, zeros_16d, n_pad, e)

    wcat = jnp.concatenate([Wc[:, :d_out].T, Wc[:, d_out:].T], axis=1)
    bc4 = jnp.concatenate([bc, jnp.zeros((2,), jnp.float32)]).reshape(1, 4)
    proj = _final_tc_call(
        s2[0], s2[1], u, dega, degb, b.reshape(1, d_out), wcat, bc4
    )

    stage_idx = (jnp.arange(NS, dtype=jnp.int32)[:, None] * ck
                 + jnp.arange(ck, dtype=jnp.int32)[None, :])
    out_flat = _edge_call(
        proj.reshape(n_pad * 4), sidx3, didx3, stage_idx, te_pad
    )
    return out_flat[: 2 * te].reshape(te, 2)

# --- scband reference (transcript-rebuilt; emitter-appended) ---
"""Pipeline reference for scband-edge-classifier-12103217840679 (READ-ONLY COPY).

The authoritative reference and input builder live on the scoring server;
editing this copy changes nothing except your own understanding.
"""

import jax, jax.numpy as jnp
import numpy as np

N = 10000
E = 320000
D_IN = 128
D_OUT = 128

def setup_inputs(seed: int = 0) -> dict:
    key = jax.random.key(seed)
    k1, k2, k3, k4 = jax.random.split(key, 4)
    x = jax.random.normal(k1, (N, D_IN), dtype=jnp.float32)
    edge_index = jax.random.randint(k2, (2, E), 0, N, dtype=jnp.int32)
    # GCNConv params: weight [D_IN, D_OUT], bias [D_OUT]
    W = jax.random.normal(k3, (D_IN, D_OUT), dtype=jnp.float32) * 0.05
    b = jnp.zeros((D_OUT,), dtype=jnp.float32)
    # Linear(2*D_OUT, 2): torch layout weight [2, 2*D_OUT], bias [2]
    Wc = jax.random.normal(k4, (2, 2 * D_OUT), dtype=jnp.float32) * 0.05
    bc = jnp.zeros((2,), dtype=jnp.float32)
    return {"x": x, "edge_index": edge_index, "W": W, "b": b, "Wc": Wc, "bc": bc}


def gcn_conv(x, edge_index, W, b):
    # GCNConv: add self-loops, symmetric normalization D^-1/2 A_hat D^-1/2 X W + b
    num_nodes = x.shape[0]
    xw = x @ W
    loop = jnp.arange(num_nodes, dtype=edge_index.dtype)
    src = jnp.concatenate([edge_index[0], loop])
    dst = jnp.concatenate([edge_index[1], loop])
    ones = jnp.ones(src.shape[0], dtype=x.dtype)
    deg = jnp.zeros(num_nodes, dtype=x.dtype).at[dst].add(ones)
    dinv = jnp.where(deg > 0, jax.lax.rsqrt(jnp.maximum(deg, 1e-12)), 0.0)
    norm = dinv[src] * dinv[dst]
    msgs = jnp.take(xw, src, axis=0) * norm[:, None]
    out = jax.ops.segment_sum(msgs, dst, num_segments=num_nodes)
    return out + b


def reference(x, edge_index, W, b, Wc, bc):
    h = jax.nn.relu(gcn_conv(x, edge_index, W, b))
    # negative_sampling(edge_index, num_neg_samples=E): uniform random node pairs
    neg_key = jax.random.key(42)
    ka, kb = jax.random.split(neg_key)
    neg_src = jax.random.randint(ka, (E,), 0, N, dtype=edge_index.dtype)
    neg_dst = jax.random.randint(kb, (E,), 0, N, dtype=edge_index.dtype)
    neg_edge_index = jnp.stack([neg_src, neg_dst], axis=0)
    total_edge_index = jnp.concatenate([edge_index, neg_edge_index], axis=1)
    edge_features = jnp.concatenate(
        [jnp.take(h, total_edge_index[0], axis=0), jnp.take(h, total_edge_index[1], axis=0)],
        axis=1,
    )
    return edge_features @ Wc.T + bc

if __name__ == "__main__":
    import jax
    _d = setup_inputs()
    print(jax.jit(kernel)(*tuple(_d.values())))

</pallas_src>

<mosaic_0001>
#map = affine_map<(d0, d1) -> (0, 0)>
#map1 = affine_map<(d0, d1) -> (0, 0, 0)>
module attributes {stable_mosaic.version = 14 : i64} {
  func.func @kfn(%arg0: i32, %arg1: i32, %arg2: memref<10240x128xf32, #tpu.memory_space<hbm>>, %arg3: memref<32x125x80xi32, #tpu.memory_space<hbm>>, %arg4: memref<32x125x80xi32, #tpu.memory_space<hbm>>, %arg5: memref<16x128xf32, #tpu.memory_space<hbm>>, %arg6: memref<2x10240x128xf32, #tpu.memory_space<hbm>>, %arg7: memref<125x80xi32, #tpu.memory_space<vmem>>, %arg8: memref<125x80xi32, #tpu.memory_space<vmem>>, %arg9: memref<80x128xf32, #tpu.memory_space<vmem>>, %arg10: memref<16x128xf32, #tpu.memory_space<vmem>>, %arg11: memref<10240x128xf32, #tpu.memory_space<vmem_shared>>, %arg12: memref<!tpu.dma_semaphore, #tpu.memory_space<semaphore_mem>>) attributes {dimension_semantics = [#tpu.dimension_semantics<core_parallel>, #tpu.dimension_semantics<subcore_parallel>], iteration_bounds = array<i64: 2, 16>, scalar_prefetch = 0 : i64, scratch_operands = 6 : i64, tpu.core_type = #tpu.core_type<sc_vector_subcore>, window_params = [{transform_indices = #map}, {transform_indices = #map1}, {transform_indices = #map1}, {transform_indices = #map}, {transform_indices = #map1}]} {
    %mul3A = arith.constant 16 : i32
    %mul3A_0 = arith.muli %arg0, %mul3A : i32
    %add3A = arith.addi %mul3A_0, %arg1 : i32
    "tpu.region"() ({
      %run_scoped3A = tpu.sem_alloc : memref<!tpu.dma_semaphore, #tpu.memory_space<semaphore_mem>>
      %dma_start3A = arith.constant 0 : i32
      %dma_start3A_19 = arith.constant 0 : i32
      %dma_start3A_20 = tpu.memref_slice %arg3[%add3A, %dma_start3A, %dma_start3A_19] : memref<32x125x80xi32, #tpu.memory_space<hbm>> -> memref<1x125x80xi32, #tpu.memory_space<hbm>>
      %dma_start3A_21 = tpu.memref_squeeze %dma_start3A_20 : memref<1x125x80xi32, #tpu.memory_space<hbm>> -> memref<125x80xi32, #tpu.memory_space<hbm>>
      %dma_start3A_22 = arith.constant 0 : i32
      %dma_start3A_23 = arith.constant 0 : i32
      %dma_start3A_24 = tpu.memref_slice %arg3[%add3A, %dma_start3A_22, %dma_start3A_23] : memref<32x125x80xi32, #tpu.memory_space<hbm>> -> memref<1x125x80xi32, #tpu.memory_space<hbm>>
      %dma_start3A_25 = tpu.memref_squeeze %dma_start3A_24 : memref<1x125x80xi32, #tpu.memory_space<hbm>> -> memref<125x80xi32, #tpu.memory_space<hbm>>
      tpu.enqueue_dma source(%dma_start3A_25 : memref<125x80xi32, #tpu.memory_space<hbm>>) target(%arg7 : memref<125x80xi32, #tpu.memory_space<vmem>>) target_semaphore(%run_scoped3A : memref<!tpu.dma_semaphore, #tpu.memory_space<semaphore_mem>>)
      %dma_wait3A = arith.constant 0 : i32
      %dma_wait3A_26 = arith.constant 0 : i32
      %dma_wait3A_27 = tpu.memref_slice %arg3[%add3A, %dma_wait3A, %dma_wait3A_26] : memref<32x125x80xi32, #tpu.memory_space<hbm>> -> memref<1x125x80xi32, #tpu.memory_space<hbm>>
      %dma_wait3A_28 = tpu.memref_squeeze %dma_wait3A_27 : memref<1x125x80xi32, #tpu.memory_space<hbm>> -> memref<125x80xi32, #tpu.memory_space<hbm>>
      %dma_wait3A_29 = arith.constant 0 : i32
      %dma_wait3A_30 = arith.constant 0 : i32
      %dma_wait3A_31 = tpu.memref_slice %arg3[%add3A, %dma_wait3A_29, %dma_wait3A_30] : memref<32x125x80xi32, #tpu.memory_space<hbm>> -> memref<1x125x80xi32, #tpu.memory_space<hbm>>
      %dma_wait3A_32 = tpu.memref_squeeze %dma_wait3A_31 : memref<1x125x80xi32, #tpu.memory_space<hbm>> -> memref<125x80xi32, #tpu.memory_space<hbm>>
      tpu.wait_dma2 semaphore(%run_scoped3A : memref<!tpu.dma_semaphore, #tpu.memory_space<semaphore_mem>>) src(%dma_wait3A_32 : memref<125x80xi32, #tpu.memory_space<hbm>>) dst(%arg7 : memref<125x80xi32, #tpu.memory_space<vmem>>)
      tpu.yield
    }) : () -> ()
    "tpu.region"() ({
      %run_scoped3A = tpu.sem_alloc : memref<!tpu.dma_semaphore, #tpu.memory_space<semaphore_mem>>
      %dma_start3A = arith.constant 0 : i32
      %dma_start3A_19 = arith.constant 0 : i32
      %dma_start3A_20 = tpu.memref_slice %arg4[%add3A, %dma_start3A, %dma_start3A_19] : memref<32x125x80xi32, #tpu.memory_space<hbm>> -> memref<1x125x80xi32, #tpu.memory_space<hbm>>
      %dma_start3A_21 = tpu.memref_squeeze %dma_start3A_20 : memref<1x125x80xi32, #tpu.memory_space<hbm>> -> memref<125x80xi32, #tpu.memory_space<hbm>>
      %dma_start3A_22 = arith.constant 0 : i32
      %dma_start3A_23 = arith.constant 0 : i32
      %dma_start3A_24 = tpu.memref_slice %arg4[%add3A, %dma_start3A_22, %dma_start3A_23] : memref<32x125x80xi32, #tpu.memory_space<hbm>> -> memref<1x125x80xi32, #tpu.memory_space<hbm>>
      %dma_start3A_25 = tpu.memref_squeeze %dma_start3A_24 : memref<1x125x80xi32, #tpu.memory_space<hbm>> -> memref<125x80xi32, #tpu.memory_space<hbm>>
      tpu.enqueue_dma source(%dma_start3A_25 : memref<125x80xi32, #tpu.memory_space<hbm>>) target(%arg8 : memref<125x80xi32, #tpu.memory_space<vmem>>) target_semaphore(%run_scoped3A : memref<!tpu.dma_semaphore, #tpu.memory_space<semaphore_mem>>)
      %dma_wait3A = arith.constant 0 : i32
      %dma_wait3A_26 = arith.constant 0 : i32
      %dma_wait3A_27 = tpu.memref_slice %arg4[%add3A, %dma_wait3A, %dma_wait3A_26] : memref<32x125x80xi32, #tpu.memory_space<hbm>> -> memref<1x125x80xi32, #tpu.memory_space<hbm>>
      %dma_wait3A_28 = tpu.memref_squeeze %dma_wait3A_27 : memref<1x125x80xi32, #tpu.memory_space<hbm>> -> memref<125x80xi32, #tpu.memory_space<hbm>>
      %dma_wait3A_29 = arith.constant 0 : i32
      %dma_wait3A_30 = arith.constant 0 : i32
      %dma_wait3A_31 = tpu.memref_slice %arg4[%add3A, %dma_wait3A_29, %dma_wait3A_30] : memref<32x125x80xi32, #tpu.memory_space<hbm>> -> memref<1x125x80xi32, #tpu.memory_space<hbm>>
      %dma_wait3A_32 = tpu.memref_squeeze %dma_wait3A_31 : memref<1x125x80xi32, #tpu.memory_space<hbm>> -> memref<125x80xi32, #tpu.memory_space<hbm>>
      tpu.wait_dma2 semaphore(%run_scoped3A : memref<!tpu.dma_semaphore, #tpu.memory_space<semaphore_mem>>) src(%dma_wait3A_32 : memref<125x80xi32, #tpu.memory_space<hbm>>) dst(%arg8 : memref<125x80xi32, #tpu.memory_space<vmem>>)
      tpu.yield
    }) : () -> ()
    "tpu.region"() ({
      %run_scoped3A = tpu.sem_alloc : memref<!tpu.dma_semaphore, #tpu.memory_space<semaphore_mem>>
      tpu.enqueue_dma source(%arg5 : memref<16x128xf32, #tpu.memory_space<hbm>>) target(%arg10 : memref<16x128xf32, #tpu.memory_space<vmem>>) target_semaphore(%run_scoped3A : memref<!tpu.dma_semaphore, #tpu.memory_space<semaphore_mem>>)
      tpu.wait_dma2 semaphore(%run_scoped3A : memref<!tpu.dma_semaphore, #tpu.memory_space<semaphore_mem>>) src(%arg5 : memref<16x128xf32, #tpu.memory_space<hbm>>) dst(%arg10 : memref<16x128xf32, #tpu.memory_space<vmem>>)
      tpu.yield
    }) : () -> ()
    %scan3A = arith.constant 0 : i32
    %scan3A_1 = arith.constant 0 : i32
    %scan3A_2 = arith.constant 40 : i32
    %scan3A_3 = arith.addi %scan3A_1, %scan3A_2 : i32
    %scan3A_4 = arith.constant 1 : i32
    scf.for %scan3A_19 = %scan3A_1 to %scan3A_3 step %scan3A_4  : i32 {
      %mul3A_20 = arith.constant 640 : i32
      %mul3A_21 = arith.muli %arg1, %mul3A_20 : i32
      %mul3A_22 = arith.constant 16 : i32
      %mul3A_23 = arith.muli %scan3A_19, %mul3A_22 : i32
      %add3A_24 = arith.addi %mul3A_21, %mul3A_23 : i32
      "tpu.region"() ({
        %run_scoped3A = tpu.sem_alloc : memref<!tpu.dma_semaphore, #tpu.memory_space<semaphore_mem>>
        %dma_start3A = arith.constant 0 : i32
        %dma_start3A_25 = tpu.memref_slice %arg11[%add3A_24, %dma_start3A] : memref<10240x128xf32, #tpu.memory_space<vmem_shared>> -> memref<16x128xf32, #tpu.memory_space<vmem_shared>>
        %dma_start3A_26 = arith.constant 0 : i32
        %dma_start3A_27 = tpu.memref_slice %arg11[%add3A_24, %dma_start3A_26] : memref<10240x128xf32, #tpu.memory_space<vmem_shared>> -> memref<16x128xf32, #tpu.memory_space<vmem_shared>>
        tpu.enqueue_dma source(%arg10 : memref<16x128xf32, #tpu.memory_space<vmem>>) target(%dma_start3A_27 : memref<16x128xf32, #tpu.memory_space<vmem_shared>>) target_semaphore(%run_scoped3A : memref<!tpu.dma_semaphore, #tpu.memory_space<semaphore_mem>>)
        %dma_wait3A = arith.constant 0 : i32
        %dma_wait3A_28 = tpu.memref_slice %arg11[%add3A_24, %dma_wait3A] : memref<10240x128xf32, #tpu.memory_space<vmem_shared>> -> memref<16x128xf32, #tpu.memory_space<vmem_shared>>
        %dma_wait3A_29 = arith.constant 0 : i32
        %dma_wait3A_30 = tpu.memref_slice %arg11[%add3A_24, %dma_wait3A_29] : memref<10240x128xf32, #tpu.memory_space<vmem_shared>> -> memref<16x128xf32, #tpu.memory_space<vmem_shared>>
        tpu.wait_dma2 semaphore(%run_scoped3A : memref<!tpu.dma_semaphore, #tpu.memory_space<semaphore_mem>>) src(%arg10 : memref<16x128xf32, #tpu.memory_space<vmem>>) dst(%dma_wait3A_30 : memref<16x128xf32, #tpu.memory_space<vmem_shared>>)
        tpu.yield
      }) : () -> ()
    }
    %scan3A_5 = arith.constant 40 : i32
    %barrier3A = arith.constant 0 : index
    tpu.barrier barrier_id(%barrier3A)
    %scan3A_6 = arith.constant 0 : i32
    %scan3A_7 = arith.constant 0 : i32
    %scan3A_8 = arith.constant 125 : i32
    %scan3A_9 = arith.addi %scan3A_7, %scan3A_8 : i32
    %scan3A_10 = arith.constant 1 : i32
    scf.for %scan3A_19 = %scan3A_7 to %scan3A_9 step %scan3A_10  : i32 {
      %dma_start3A = arith.constant 0 : i32
      %dma_start3A_20 = tpu.memref_slice %arg7[%scan3A_19, %dma_start3A] : memref<125x80xi32, #tpu.memory_space<vmem>> -> memref<1x80xi32, #tpu.memory_space<vmem>>
      %dma_start3A_21 = tpu.memref_squeeze %dma_start3A_20 : memref<1x80xi32, #tpu.memory_space<vmem>> -> memref<80xi32, #tpu.memory_space<vmem>>
      %dma_start3A_22 = arith.constant 0 : i32
      %dma_start3A_23 = arith.constant 0 : i32
      %dma_start3A_24 = tpu.memref_slice %arg2[%dma_start3A_22, %dma_start3A_23] : memref<10240x128xf32, #tpu.memory_space<hbm>> -> memref<10240x128xf32, #tpu.memory_space<hbm>>
      tpu.enqueue_indirect_dma source(%dma_start3A_24 : memref<10240x128xf32, #tpu.memory_space<hbm>>) target(%arg9 : memref<80x128xf32, #tpu.memory_space<vmem>>) offsets(%dma_start3A_21 : memref<80xi32, #tpu.memory_space<vmem>>) semaphore(%arg12 : memref<!tpu.dma_semaphore, #tpu.memory_space<semaphore_mem>>)
      %dma_wait3A = arith.constant 0 : i32
      %dma_wait3A_25 = tpu.memref_slice %arg7[%scan3A_19, %dma_wait3A] : memref<125x80xi32, #tpu.memory_space<vmem>> -> memref<1x80xi32, #tpu.memory_space<vmem>>
      %dma_wait3A_26 = tpu.memref_squeeze %dma_wait3A_25 : memref<1x80xi32, #tpu.memory_space<vmem>> -> memref<80xi32, #tpu.memory_space<vmem>>
      %dma_wait3A_27 = arith.constant 0 : i32
      %dma_wait3A_28 = arith.constant 0 : i32
      %dma_wait3A_29 = tpu.memref_slice %arg2[%dma_wait3A_27, %dma_wait3A_28] : memref<10240x128xf32, #tpu.memory_space<hbm>> -> memref<10240x128xf32, #tpu.memory_space<hbm>>
      tpu.wait_indirect_dma semaphore(%arg12 : memref<!tpu.dma_semaphore, #tpu.memory_space<semaphore_mem>>) src(%dma_wait3A_29 : memref<10240x128xf32, #tpu.memory_space<hbm>>) dst(%arg9 : memref<80x128xf32, #tpu.memory_space<vmem>>)
      "tpu.region"() ({
        %run_scoped3A = tpu.sem_alloc : memref<!tpu.dma_semaphore, #tpu.memory_space<semaphore_mem>>
        %dma_start3A_30 = arith.constant 0 : i32
        %dma_start3A_31 = tpu.memref_slice %arg8[%scan3A_19, %dma_start3A_30] : memref<125x80xi32, #tpu.memory_space<vmem>> -> memref<1x80xi32, #tpu.memory_space<vmem>>
        %dma_start3A_32 = tpu.memref_squeeze %dma_start3A_31 : memref<1x80xi32, #tpu.memory_space<vmem>> -> memref<80xi32, #tpu.memory_space<vmem>>
        %dma_start3A_33 = arith.constant 0 : i32
        %dma_start3A_34 = arith.constant 0 : i32
        %dma_start3A_35 = tpu.memref_slice %arg11[%dma_start3A_33, %dma_start3A_34] : memref<10240x128xf32, #tpu.memory_space<vmem_shared>> -> memref<10240x128xf32, #tpu.memory_space<vmem_shared>>
        tpu.enqueue_indirect_dma source(%arg9 : memref<80x128xf32, #tpu.memory_space<vmem>>) target(%dma_start3A_35 : memref<10240x128xf32, #tpu.memory_space<vmem_shared>>) offsets(%dma_start3A_32 : memref<80xi32, #tpu.memory_space<vmem>>) semaphore(%run_scoped3A : memref<!tpu.dma_semaphore, #tpu.memory_space<semaphore_mem>>) {add = true}
        %dma_wait3A_36 = arith.constant 0 : i32
        %dma_wait3A_37 = tpu.memref_slice %arg8[%scan3A_19, %dma_wait3A_36] : memref<125x80xi32, #tpu.memory_space<vmem>> -> memref<1x80xi32, #tpu.memory_space<vmem>>
        %dma_wait3A_38 = tpu.memref_squeeze %dma_wait3A_37 : memref<1x80xi32, #tpu.memory_space<vmem>> -> memref<80xi32, #tpu.memory_space<vmem>>
        %dma_wait3A_39 = arith.constant 0 : i32
        %dma_wait3A_40 = arith.constant 0 : i32
        %dma_wait3A_41 = tpu.memref_slice %arg11[%dma_wait3A_39, %dma_wait3A_40] : memref<10240x128xf32, #tpu.memory_space<vmem_shared>> -> memref<10240x128xf32, #tpu.memory_space<vmem_shared>>
        tpu.wait_indirect_dma semaphore(%run_scoped3A : memref<!tpu.dma_semaphore, #tpu.memory_space<semaphore_mem>>) src(%arg9 : memref<80x128xf32, #tpu.memory_space<vmem>>) dst(%dma_wait3A_41 : memref<10240x128xf32, #tpu.memory_space<vmem_shared>>)
        tpu.yield
      }) : () -> ()
    }
    %scan3A_11 = arith.constant 125 : i32
    %barrier3A_12 = arith.constant 0 : index
    tpu.barrier barrier_id(%barrier3A_12)
    %scan3A_13 = arith.constant 0 : i32
    %scan3A_14 = arith.constant 0 : i32
    %scan3A_15 = arith.constant 8 : i32
    %scan3A_16 = arith.addi %scan3A_14, %scan3A_15 : i32
    %scan3A_17 = arith.constant 1 : i32
    scf.for %scan3A_19 = %scan3A_14 to %scan3A_16 step %scan3A_17  : i32 {
      %mul3A_20 = arith.constant 640 : i32
      %mul3A_21 = arith.muli %arg1, %mul3A_20 : i32
      %mul3A_22 = arith.constant 80 : i32
      %mul3A_23 = arith.muli %scan3A_19, %mul3A_22 : i32
      %add3A_24 = arith.addi %mul3A_21, %mul3A_23 : i32
      "tpu.region"() ({
        %run_scoped3A = tpu.sem_alloc : memref<!tpu.dma_semaphore, #tpu.memory_space<semaphore_mem>>
        %dma_start3A = arith.constant 0 : i32
        %dma_start3A_25 = tpu.memref_slice %arg6[%arg0, %add3A_24, %dma_start3A] : memref<2x10240x128xf32, #tpu.memory_space<hbm>> -> memref<1x80x128xf32, #tpu.memory_space<hbm>>
        %dma_start3A_26 = tpu.memref_squeeze %dma_start3A_25 : memref<1x80x128xf32, #tpu.memory_space<hbm>> -> memref<80x128xf32, #tpu.memory_space<hbm>>
        %dma_start3A_27 = arith.constant 0 : i32
        %dma_start3A_28 = tpu.memref_slice %arg11[%add3A_24, %dma_start3A_27] : memref<10240x128xf32, #tpu.memory_space<vmem_shared>> -> memref<80x128xf32, #tpu.memory_space<vmem_shared>>
        tpu.enqueue_dma source(%dma_start3A_28 : memref<80x128xf32, #tpu.memory_space<vmem_shared>>) target(%dma_start3A_26 : memref<80x128xf32, #tpu.memory_space<hbm>>) target_semaphore(%run_scoped3A : memref<!tpu.dma_semaphore, #tpu.memory_space<semaphore_mem>>)
        %dma_wait3A = arith.constant 0 : i32
        %dma_wait3A_29 = tpu.memref_slice %arg6[%arg0, %add3A_24, %dma_wait3A] : memref<2x10240x128xf32, #tpu.memory_space<hbm>> -> memref<1x80x128xf32, #tpu.memory_space<hbm>>
        %dma_wait3A_30 = tpu.memref_squeeze %dma_wait3A_29 : memref<1x80x128xf32, #tpu.memory_space<hbm>> -> memref<80x128xf32, #tpu.memory_space<hbm>>
        %dma_wait3A_31 = arith.constant 0 : i32
        %dma_wait3A_32 = tpu.memref_slice %arg11[%add3A_24, %dma_wait3A_31] : memref<10240x128xf32, #tpu.memory_space<vmem_shared>> -> memref<80x128xf32, #tpu.memory_space<vmem_shared>>
        tpu.wait_dma2 semaphore(%run_scoped3A : memref<!tpu.dma_semaphore, #tpu.memory_space<semaphore_mem>>) src(%dma_wait3A_32 : memref<80x128xf32, #tpu.memory_space<vmem_shared>>) dst(%dma_wait3A_30 : memref<80x128xf32, #tpu.memory_space<hbm>>)
        tpu.yield
      }) : () -> ()
    }
    %scan3A_18 = arith.constant 8 : i32
    return
  }
}

#map = affine_map<(d0, d1) -> (0, 0, 0)>
#map1 = affine_map<(d0, d1) -> (0)>
module attributes {stable_mosaic.version = 14 : i64} {
  func.func @kfn(%arg0: i32, %arg1: i32, %arg2: memref<32x125x80xi32, #tpu.memory_space<hbm>>, %arg3: memref<80xf32, #tpu.memory_space<hbm>>, %arg4: memref<640xf32, #tpu.memory_space<hbm>>, %arg5: memref<20480xf32, #tpu.memory_space<hbm>>, %arg6: memref<125x80xi32, #tpu.memory_space<vmem>>, %arg7: memref<80xf32, #tpu.memory_space<vmem>>, %arg8: memref<10240xf32, #tpu.memory_space<vmem_shared>>) attributes {dimension_semantics = [#tpu.dimension_semantics<core_parallel>, #tpu.dimension_semantics<subcore_parallel>], iteration_bounds = array<i64: 2, 16>, scalar_prefetch = 0 : i64, scratch_operands = 3 : i64, tpu.core_type = #tpu.core_type<sc_vector_subcore>, window_params = [{transform_indices = #map}, {transform_indices = #map1}, {transform_indices = #map1}, {transform_indices = #map1}]} {
    %mul3A = arith.constant 16 : i32
    %mul3A_0 = arith.muli %arg0, %mul3A : i32
    %add3A = arith.addi %mul3A_0, %arg1 : i32
    "tpu.region"() ({
      %run_scoped3A = tpu.sem_alloc : memref<!tpu.dma_semaphore, #tpu.memory_space<semaphore_mem>>
      tpu.enqueue_dma source(%arg3 : memref<80xf32, #tpu.memory_space<hbm>>) target(%arg7 : memref<80xf32, #tpu.memory_space<vmem>>) target_semaphore(%run_scoped3A : memref<!tpu.dma_semaphore, #tpu.memory_space<semaphore_mem>>)
      tpu.wait_dma2 semaphore(%run_scoped3A : memref<!tpu.dma_semaphore, #tpu.memory_space<semaphore_mem>>) src(%arg3 : memref<80xf32, #tpu.memory_space<hbm>>) dst(%arg7 : memref<80xf32, #tpu.memory_space<vmem>>)
      tpu.yield
    }) : () -> ()
    "tpu.region"() ({
      %run_scoped3A = tpu.sem_alloc : memref<!tpu.dma_semaphore, #tpu.memory_space<semaphore_mem>>
      %dma_start3A = arith.constant 0 : i32
      %dma_start3A_16 = arith.constant 0 : i32
      %dma_start3A_17 = tpu.memref_slice %arg2[%add3A, %dma_start3A, %dma_start3A_16] : memref<32x125x80xi32, #tpu.memory_space<hbm>> -> memref<1x125x80xi32, #tpu.memory_space<hbm>>
      %dma_start3A_18 = tpu.memref_squeeze %dma_start3A_17 : memref<1x125x80xi32, #tpu.memory_space<hbm>> -> memref<125x80xi32, #tpu.memory_space<hbm>>
      %dma_start3A_19 = arith.constant 0 : i32
      %dma_start3A_20 = arith.constant 0 : i32
      %dma_start3A_21 = tpu.memref_slice %arg2[%add3A, %dma_start3A_19, %dma_start3A_20] : memref<32x125x80xi32, #tpu.memory_space<hbm>> -> memref<1x125x80xi32, #tpu.memory_space<hbm>>
      %dma_start3A_22 = tpu.memref_squeeze %dma_start3A_21 : memref<1x125x80xi32, #tpu.memory_space<hbm>> -> memref<125x80xi32, #tpu.memory_space<hbm>>
      tpu.enqueue_dma source(%dma_start3A_22 : memref<125x80xi32, #tpu.memory_space<hbm>>) target(%arg6 : memref<125x80xi32, #tpu.memory_space<vmem>>) target_semaphore(%run_scoped3A : memref<!tpu.dma_semaphore, #tpu.memory_space<semaphore_mem>>)
      %dma_wait3A = arith.constant 0 : i32
      %dma_wait3A_23 = arith.constant 0 : i32
      %dma_wait3A_24 = tpu.memref_slice %arg2[%add3A, %dma_wait3A, %dma_wait3A_23] : memref<32x125x80xi32, #tpu.memory_space<hbm>> -> memref<1x125x80xi32, #tpu.memory_space<hbm>>
      %dma_wait3A_25 = tpu.memref_squeeze %dma_wait3A_24 : memref<1x125x80xi32, #tpu.memory_space<hbm>> -> memref<125x80xi32, #tpu.memory_space<hbm>>
      %dma_wait3A_26 = arith.constant 0 : i32
      %dma_wait3A_27 = arith.constant 0 : i32
      %dma_wait3A_28 = tpu.memref_slice %arg2[%add3A, %dma_wait3A_26, %dma_wait3A_27] : memref<32x125x80xi32, #tpu.memory_space<hbm>> -> memref<1x125x80xi32, #tpu.memory_space<hbm>>
      %dma_wait3A_29 = tpu.memref_squeeze %dma_wait3A_28 : memref<1x125x80xi32, #tpu.memory_space<hbm>> -> memref<125x80xi32, #tpu.memory_space<hbm>>
      tpu.wait_dma2 semaphore(%run_scoped3A : memref<!tpu.dma_semaphore, #tpu.memory_space<semaphore_mem>>) src(%dma_wait3A_29 : memref<125x80xi32, #tpu.memory_space<hbm>>) dst(%arg6 : memref<125x80xi32, #tpu.memory_space<vmem>>)
      tpu.yield
    }) : () -> ()
    %mul3A_1 = arith.constant 640 : i32
    %mul3A_2 = arith.muli %arg1, %mul3A_1 : i32
    "tpu.region"() ({
      %run_scoped3A = tpu.sem_alloc : memref<!tpu.dma_semaphore, #tpu.memory_space<semaphore_mem>>
      %dma_start3A = tpu.memref_slice %arg8[%mul3A_2] : memref<10240xf32, #tpu.memory_space<vmem_shared>> -> memref<640xf32, #tpu.memory_space<vmem_shared>>
      tpu.enqueue_dma source(%arg4 : memref<640xf32, #tpu.memory_space<hbm>>) target(%dma_start3A : memref<640xf32, #tpu.memory_space<vmem_shared>>) target_semaphore(%run_scoped3A : memref<!tpu.dma_semaphore, #tpu.memory_space<semaphore_mem>>)
      %dma_wait3A = tpu.memref_slice %arg8[%mul3A_2] : memref<10240xf32, #tpu.memory_space<vmem_shared>> -> memref<640xf32, #tpu.memory_space<vmem_shared>>
      tpu.wait_dma2 semaphore(%run_scoped3A : memref<!tpu.dma_semaphore, #tpu.memory_space<semaphore_mem>>) src(%arg4 : memref<640xf32, #tpu.memory_space<hbm>>) dst(%dma_wait3A : memref<640xf32, #tpu.memory_space<vmem_shared>>)
      tpu.yield
    }) : () -> ()
    %barrier3A = arith.constant 0 : index
    tpu.barrier barrier_id(%barrier3A)
    %scan3A = arith.constant 0 : i32
    %scan3A_3 = arith.constant 0 : i32
    %scan3A_4 = arith.constant 125 : i32
    %scan3A_5 = arith.addi %scan3A_3, %scan3A_4 : i32
    %scan3A_6 = arith.constant 1 : i32
    scf.for %scan3A_16 = %scan3A_3 to %scan3A_5 step %scan3A_6  : i32 {
      "tpu.region"() ({
        %run_scoped3A = tpu.sem_alloc : memref<!tpu.dma_semaphore, #tpu.memory_space<semaphore_mem>>
        %dma_start3A = arith.constant 0 : i32
        %dma_start3A_17 = tpu.memref_slice %arg6[%scan3A_16, %dma_start3A] : memref<125x80xi32, #tpu.memory_space<vmem>> -> memref<1x80xi32, #tpu.memory_space<vmem>>
        %dma_start3A_18 = tpu.memref_squeeze %dma_start3A_17 : memref<1x80xi32, #tpu.memory_space<vmem>> -> memref<80xi32, #tpu.memory_space<vmem>>
        %dma_start3A_19 = arith.constant 0 : i32
        %dma_start3A_20 = tpu.memref_slice %arg8[%dma_start3A_19] : memref<10240xf32, #tpu.memory_space<vmem_shared>> -> memref<10240xf32, #tpu.memory_space<vmem_shared>>
        tpu.enqueue_indirect_dma source(%arg7 : memref<80xf32, #tpu.memory_space<vmem>>) target(%dma_start3A_20 : memref<10240xf32, #tpu.memory_space<vmem_shared>>) offsets(%dma_start3A_18 : memref<80xi32, #tpu.memory_space<vmem>>) semaphore(%run_scoped3A : memref<!tpu.dma_semaphore, #tpu.memory_space<semaphore_mem>>) {add = true}
        %dma_wait3A = arith.constant 0 : i32
        %dma_wait3A_21 = tpu.memref_slice %arg6[%scan3A_16, %dma_wait3A] : memref<125x80xi32, #tpu.memory_space<vmem>> -> memref<1x80xi32, #tpu.memory_space<vmem>>
        %dma_wait3A_22 = tpu.memref_squeeze %dma_wait3A_21 : memref<1x80xi32, #tpu.memory_space<vmem>> -> memref<80xi32, #tpu.memory_space<vmem>>
        %dma_wait3A_23 = arith.constant 0 : i32
        %dma_wait3A_24 = tpu.memref_slice %arg8[%dma_wait3A_23] : memref<10240xf32, #tpu.memory_space<vmem_shared>> -> memref<10240xf32, #tpu.memory_space<vmem_shared>>
        tpu.wait_indirect_dma semaphore(%run_scoped3A : memref<!tpu.dma_semaphore, #tpu.memory_space<semaphore_mem>>) src(%arg7 : memref<80xf32, #tpu.memory_space<vmem>>) dst(%dma_wait3A_24 : memref<10240xf32, #tpu.memory_space<vmem_shared>>)
        tpu.yield
      }) : () -> ()
    }
    %scan3A_7 = arith.constant 125 : i32
    %barrier3A_8 = arith.constant 0 : index
    tpu.barrier barrier_id(%barrier3A_8)
    %mul3A_9 = arith.constant 640 : i32
    %mul3A_10 = arith.muli %arg1, %mul3A_9 : i32
    %mul3A_11 = arith.constant 10240 : i32
    %mul3A_12 = arith.muli %arg0, %mul3A_11 : i32
    %mul3A_13 = arith.constant 640 : i32
    %mul3A_14 = arith.muli %arg1, %mul3A_13 : i32
    %add3A_15 = arith.addi %mul3A_12, %mul3A_14 : i32
    "tpu.region"() ({
      %run_scoped3A = tpu.sem_alloc : memref<!tpu.dma_semaphore, #tpu.memory_space<semaphore_mem>>
      %dma_start3A = tpu.memref_slice %arg5[%add3A_15] : memref<20480xf32, #tpu.memory_space<hbm>> -> memref<640xf32, #tpu.memory_space<hbm>>
      %dma_start3A_16 = tpu.memref_slice %arg8[%mul3A_10] : memref<10240xf32, #tpu.memory_space<vmem_shared>> -> memref<640xf32, #tpu.memory_space<vmem_shared>>
      tpu.enqueue_dma source(%dma_start3A_16 : memref<640xf32, #tpu.memory_space<vmem_shared>>) target(%dma_start3A : memref<640xf32, #tpu.memory_space<hbm>>) target_semaphore(%run_scoped3A : memref<!tpu.dma_semaphore, #tpu.memory_space<semaphore_mem>>)
      %dma_wait3A = tpu.memref_slice %arg5[%add3A_15] : memref<20480xf32, #tpu.memory_space<hbm>> -> memref<640xf32, #tpu.memory_space<hbm>>
      %dma_wait3A_17 = tpu.memref_slice %arg8[%mul3A_10] : memref<10240xf32, #tpu.memory_space<vmem_shared>> -> memref<640xf32, #tpu.memory_space<vmem_shared>>
      tpu.wait_dma2 semaphore(%run_scoped3A : memref<!tpu.dma_semaphore, #tpu.memory_space<semaphore_mem>>) src(%dma_wait3A_17 : memref<640xf32, #tpu.memory_space<vmem_shared>>) dst(%dma_wait3A : memref<640xf32, #tpu.memory_space<hbm>>)
      tpu.yield
    }) : () -> ()
    return
  }
}

#map = affine_map<(d0, d1) -> (0)>
#map1 = affine_map<(d0, d1) -> (0, 0, 0)>
#map2 = affine_map<(d0, d1) -> (0, 0)>
module attributes {stable_mosaic.version = 14 : i64} {
  func.func @kfn(%arg0: i32, %arg1: i32, %arg2: memref<40960xf32, #tpu.memory_space<hbm>>, %arg3: memref<32x313x128xi32, #tpu.memory_space<hbm>>, %arg4: memref<32x313x128xi32, #tpu.memory_space<hbm>>, %arg5: memref<16x128xi32, #tpu.memory_space<hbm>>, %arg6: memref<1282048xf32, #tpu.memory_space<hbm>>, %arg7: memref<313x128xi32, #tpu.memory_space<vmem>>, %arg8: memref<313x128xi32, #tpu.memory_space<vmem>>, %arg9: memref<128xi32, #tpu.memory_space<vmem>>, %arg10: memref<128xf32, #tpu.memory_space<vmem>>, %arg11: memref<128xf32, #tpu.memory_space<vmem>>, %arg12: memref<2048xf32, #tpu.memory_space<vmem_shared>>, %arg13: memref<!tpu.dma_semaphore, #tpu.memory_space<semaphore_mem>>, %arg14: memref<!tpu.dma_semaphore, #tpu.memory_space<semaphore_mem>>) attributes {dimension_semantics = [#tpu.dimension_semantics<core_parallel>, #tpu.dimension_semantics<subcore_parallel>], iteration_bounds = array<i64: 2, 16>, scalar_prefetch = 0 : i64, scratch_operands = 8 : i64, tpu.core_type = #tpu.core_type<sc_vector_subcore>, window_params = [{transform_indices = #map}, {transform_indices = #map1}, {transform_indices = #map1}, {transform_indices = #map2}, {transform_indices = #map}]} {
    %mul3A = arith.constant 16 : i32
    %mul3A_0 = arith.muli %arg0, %mul3A : i32
    %add3A = arith.addi %mul3A_0, %arg1 : i32
    "tpu.region"() ({
      %run_scoped3A = tpu.sem_alloc : memref<!tpu.dma_semaphore, #tpu.memory_space<semaphore_mem>>
      %dma_start3A = arith.constant 0 : i32
      %dma_start3A_8 = arith.constant 0 : i32
      %dma_start3A_9 = tpu.memref_slice %arg3[%add3A, %dma_start3A, %dma_start3A_8] : memref<32x313x128xi32, #tpu.memory_space<hbm>> -> memref<1x313x128xi32, #tpu.memory_space<hbm>>
      %dma_start3A_10 = tpu.memref_squeeze %dma_start3A_9 : memref<1x313x128xi32, #tpu.memory_space<hbm>> -> memref<313x128xi32, #tpu.memory_space<hbm>>
      %dma_start3A_11 = arith.constant 0 : i32
      %dma_start3A_12 = arith.constant 0 : i32
      %dma_start3A_13 = tpu.memref_slice %arg3[%add3A, %dma_start3A_11, %dma_start3A_12] : memref<32x313x128xi32, #tpu.memory_space<hbm>> -> memref<1x313x128xi32, #tpu.memory_space<hbm>>
      %dma_start3A_14 = tpu.memref_squeeze %dma_start3A_13 : memref<1x313x128xi32, #tpu.memory_space<hbm>> -> memref<313x128xi32, #tpu.memory_space<hbm>>
      tpu.enqueue_dma source(%dma_start3A_14 : memref<313x128xi32, #tpu.memory_space<hbm>>) target(%arg7 : memref<313x128xi32, #tpu.memory_space<vmem>>) target_semaphore(%run_scoped3A : memref<!tpu.dma_semaphore, #tpu.memory_space<semaphore_mem>>)
      %dma_wait3A = arith.constant 0 : i32
      %dma_wait3A_15 = arith.constant 0 : i32
      %dma_wait3A_16 = tpu.memref_slice %arg3[%add3A, %dma_wait3A, %dma_wait3A_15] : memref<32x313x128xi32, #tpu.memory_space<hbm>> -> memref<1x313x128xi32, #tpu.memory_space<hbm>>
      %dma_wait3A_17 = tpu.memref_squeeze %dma_wait3A_16 : memref<1x313x128xi32, #tpu.memory_space<hbm>> -> memref<313x128xi32, #tpu.memory_space<hbm>>
      %dma_wait3A_18 = arith.constant 0 : i32
      %dma_wait3A_19 = arith.constant 0 : i32
      %dma_wait3A_20 = tpu.memref_slice %arg3[%add3A, %dma_wait3A_18, %dma_wait3A_19] : memref<32x313x128xi32, #tpu.memory_space<hbm>> -> memref<1x313x128xi32, #tpu.memory_space<hbm>>
      %dma_wait3A_21 = tpu.memref_squeeze %dma_wait3A_20 : memref<1x313x128xi32, #tpu.memory_space<hbm>> -> memref<313x128xi32, #tpu.memory_space<hbm>>
      tpu.wait_dma2 semaphore(%run_scoped3A : memref<!tpu.dma_semaphore, #tpu.memory_space<semaphore_mem>>) src(%dma_wait3A_21 : memref<313x128xi32, #tpu.memory_space<hbm>>) dst(%arg7 : memref<313x128xi32, #tpu.memory_space<vmem>>)
      tpu.yield
    }) : () -> ()
    "tpu.region"() ({
      %run_scoped3A = tpu.sem_alloc : memref<!tpu.dma_semaphore, #tpu.memory_space<semaphore_mem>>
      %dma_start3A = arith.constant 0 : i32
      %dma_start3A_8 = arith.constant 0 : i32
      %dma_start3A_9 = tpu.memref_slice %arg4[%add3A, %dma_start3A, %dma_start3A_8] : memref<32x313x128xi32, #tpu.memory_space<hbm>> -> memref<1x313x128xi32, #tpu.memory_space<hbm>>
      %dma_start3A_10 = tpu.memref_squeeze %dma_start3A_9 : memref<1x313x128xi32, #tpu.memory_space<hbm>> -> memref<313x128xi32, #tpu.memory_space<hbm>>
      %dma_start3A_11 = arith.constant 0 : i32
      %dma_start3A_12 = arith.constant 0 : i32
      %dma_start3A_13 = tpu.memref_slice %arg4[%add3A, %dma_start3A_11, %dma_start3A_12] : memref<32x313x128xi32, #tpu.memory_space<hbm>> -> memref<1x313x128xi32, #tpu.memory_space<hbm>>
      %dma_start3A_14 = tpu.memref_squeeze %dma_start3A_13 : memref<1x313x128xi32, #tpu.memory_space<hbm>> -> memref<313x128xi32, #tpu.memory_space<hbm>>
      tpu.enqueue_dma source(%dma_start3A_14 : memref<313x128xi32, #tpu.memory_space<hbm>>) target(%arg8 : memref<313x128xi32, #tpu.memory_space<vmem>>) target_semaphore(%run_scoped3A : memref<!tpu.dma_semaphore, #tpu.memory_space<semaphore_mem>>)
      %dma_wait3A = arith.constant 0 : i32
      %dma_wait3A_15 = arith.constant 0 : i32
      %dma_wait3A_16 = tpu.memref_slice %arg4[%add3A, %dma_wait3A, %dma_wait3A_15] : memref<32x313x128xi32, #tpu.memory_space<hbm>> -> memref<1x313x128xi32, #tpu.memory_space<hbm>>
      %dma_wait3A_17 = tpu.memref_squeeze %dma_wait3A_16 : memref<1x313x128xi32, #tpu.memory_space<hbm>> -> memref<313x128xi32, #tpu.memory_space<hbm>>
      %dma_wait3A_18 = arith.constant 0 : i32
      %dma_wait3A_19 = arith.constant 0 : i32
      %dma_wait3A_20 = tpu.memref_slice %arg4[%add3A, %dma_wait3A_18, %dma_wait3A_19] : memref<32x313x128xi32, #tpu.memory_space<hbm>> -> memref<1x313x128xi32, #tpu.memory_space<hbm>>
      %dma_wait3A_21 = tpu.memref_squeeze %dma_wait3A_20 : memref<1x313x128xi32, #tpu.memory_space<hbm>> -> memref<313x128xi32, #tpu.memory_space<hbm>>
      tpu.wait_dma2 semaphore(%run_scoped3A : memref<!tpu.dma_semaphore, #tpu.memory_space<semaphore_mem>>) src(%dma_wait3A_21 : memref<313x128xi32, #tpu.memory_space<hbm>>) dst(%arg8 : memref<313x128xi32, #tpu.memory_space<vmem>>)
      tpu.yield
    }) : () -> ()
    "tpu.region"() ({
      %run_scoped3A = tpu.sem_alloc : memref<!tpu.dma_semaphore, #tpu.memory_space<semaphore_mem>>
      %dma_start3A = arith.constant 0 : i32
      %dma_start3A_8 = tpu.memref_slice %arg5[%arg1, %dma_start3A] : memref<16x128xi32, #tpu.memory_space<hbm>> -> memref<1x128xi32, #tpu.memory_space<hbm>>
      %dma_start3A_9 = tpu.memref_squeeze %dma_start3A_8 : memref<1x128xi32, #tpu.memory_space<hbm>> -> memref<128xi32, #tpu.memory_space<hbm>>
      %dma_start3A_10 = arith.constant 0 : i32
      %dma_start3A_11 = tpu.memref_slice %arg5[%arg1, %dma_start3A_10] : memref<16x128xi32, #tpu.memory_space<hbm>> -> memref<1x128xi32, #tpu.memory_space<hbm>>
      %dma_start3A_12 = tpu.memref_squeeze %dma_start3A_11 : memref<1x128xi32, #tpu.memory_space<hbm>> -> memref<128xi32, #tpu.memory_space<hbm>>
      tpu.enqueue_dma source(%dma_start3A_12 : memref<128xi32, #tpu.memory_space<hbm>>) target(%arg9 : memref<128xi32, #tpu.memory_space<vmem>>) target_semaphore(%run_scoped3A : memref<!tpu.dma_semaphore, #tpu.memory_space<semaphore_mem>>)
      %dma_wait3A = arith.constant 0 : i32
      %dma_wait3A_13 = tpu.memref_slice %arg5[%arg1, %dma_wait3A] : memref<16x128xi32, #tpu.memory_space<hbm>> -> memref<1x128xi32, #tpu.memory_space<hbm>>
      %dma_wait3A_14 = tpu.memref_squeeze %dma_wait3A_13 : memref<1x128xi32, #tpu.memory_space<hbm>> -> memref<128xi32, #tpu.memory_space<hbm>>
      %dma_wait3A_15 = arith.constant 0 : i32
      %dma_wait3A_16 = tpu.memref_slice %arg5[%arg1, %dma_wait3A_15] : memref<16x128xi32, #tpu.memory_space<hbm>> -> memref<1x128xi32, #tpu.memory_space<hbm>>
      %dma_wait3A_17 = tpu.memref_squeeze %dma_wait3A_16 : memref<1x128xi32, #tpu.memory_space<hbm>> -> memref<128xi32, #tpu.memory_space<hbm>>
      tpu.wait_dma2 semaphore(%run_scoped3A : memref<!tpu.dma_semaphore, #tpu.memory_space<semaphore_mem>>) src(%dma_wait3A_17 : memref<128xi32, #tpu.memory_space<hbm>>) dst(%arg9 : memref<128xi32, #tpu.memory_space<vmem>>)
      tpu.yield
    }) : () -> ()
    %mul3A_1 = arith.constant 40064 : i32
    %mul3A_2 = arith.muli %add3A, %mul3A_1 : i32
    %scan3A = arith.constant 0 : i32
    %scan3A_3 = arith.constant 0 : i32
    %scan3A_4 = arith.constant 313 : i32
    %scan3A_5 = arith.addi %scan3A_3, %scan3A_4 : i32
    %scan3A_6 = arith.constant 1 : i32
    scf.for %scan3A_8 = %scan3A_3 to %scan3A_5 step %scan3A_6  : i32 {
      %dma_start3A = arith.constant 0 : i32
      %dma_start3A_9 = tpu.memref_slice %arg7[%scan3A_8, %dma_start3A] : memref<313x128xi32, #tpu.memory_space<vmem>> -> memref<1x128xi32, #tpu.memory_space<vmem>>
      %dma_start3A_10 = tpu.memref_squeeze %dma_start3A_9 : memref<1x128xi32, #tpu.memory_space<vmem>> -> memref<128xi32, #tpu.memory_space<vmem>>
      %dma_start3A_11 = arith.constant 0 : i32
      %dma_start3A_12 = tpu.memref_slice %arg2[%dma_start3A_11] : memref<40960xf32, #tpu.memory_space<hbm>> -> memref<40960xf32, #tpu.memory_space<hbm>>
      tpu.enqueue_indirect_dma source(%dma_start3A_12 : memref<40960xf32, #tpu.memory_space<hbm>>) target(%arg10 : memref<128xf32, #tpu.memory_space<vmem>>) offsets(%dma_start3A_10 : memref<128xi32, #tpu.memory_space<vmem>>) semaphore(%arg13 : memref<!tpu.dma_semaphore, #tpu.memory_space<semaphore_mem>>)
      %dma_start3A_13 = arith.constant 0 : i32
      %dma_start3A_14 = tpu.memref_slice %arg8[%scan3A_8, %dma_start3A_13] : memref<313x128xi32, #tpu.memory_space<vmem>> -> memref<1x128xi32, #tpu.memory_space<vmem>>
      %dma_start3A_15 = tpu.memref_squeeze %dma_start3A_14 : memref<1x128xi32, #tpu.memory_space<vmem>> -> memref<128xi32, #tpu.memory_space<vmem>>
      %dma_start3A_16 = arith.constant 0 : i32
      %dma_start3A_17 = tpu.memref_slice %arg2[%dma_start3A_16] : memref<40960xf32, #tpu.memory_space<hbm>> -> memref<40960xf32, #tpu.memory_space<hbm>>
      tpu.enqueue_indirect_dma source(%dma_start3A_17 : memref<40960xf32, #tpu.memory_space<hbm>>) target(%arg11 : memref<128xf32, #tpu.memory_space<vmem>>) offsets(%dma_start3A_15 : memref<128xi32, #tpu.memory_space<vmem>>) semaphore(%arg14 : memref<!tpu.dma_semaphore, #tpu.memory_space<semaphore_mem>>)
      %dma_wait3A = arith.constant 0 : i32
      %dma_wait3A_18 = tpu.memref_slice %arg7[%scan3A_8, %dma_wait3A] : memref<313x128xi32, #tpu.memory_space<vmem>> -> memref<1x128xi32, #tpu.memory_space<vmem>>
      %dma_wait3A_19 = tpu.memref_squeeze %dma_wait3A_18 : memref<1x128xi32, #tpu.memory_space<vmem>> -> memref<128xi32, #tpu.memory_space<vmem>>
      %dma_wait3A_20 = arith.constant 0 : i32
      %dma_wait3A_21 = tpu.memref_slice %arg2[%dma_wait3A_20] : memref<40960xf32, #tpu.memory_space<hbm>> -> memref<40960xf32, #tpu.memory_space<hbm>>
      tpu.wait_indirect_dma semaphore(%arg13 : memref<!tpu.dma_semaphore, #tpu.memory_space<semaphore_mem>>) src(%dma_wait3A_21 : memref<40960xf32, #tpu.memory_space<hbm>>) dst(%arg10 : memref<128xf32, #tpu.memory_space<vmem>>)
      %dma_wait3A_22 = arith.constant 0 : i32
      %dma_wait3A_23 = tpu.memref_slice %arg8[%scan3A_8, %dma_wait3A_22] : memref<313x128xi32, #tpu.memory_space<vmem>> -> memref<1x128xi32, #tpu.memory_space<vmem>>
      %dma_wait3A_24 = tpu.memref_squeeze %dma_wait3A_23 : memref<1x128xi32, #tpu.memory_space<vmem>> -> memref<128xi32, #tpu.memory_space<vmem>>
      %dma_wait3A_25 = arith.constant 0 : i32
      %dma_wait3A_26 = tpu.memref_slice %arg2[%dma_wait3A_25] : memref<40960xf32, #tpu.memory_space<hbm>> -> memref<40960xf32, #tpu.memory_space<hbm>>
      tpu.wait_indirect_dma semaphore(%arg14 : memref<!tpu.dma_semaphore, #tpu.memory_space<semaphore_mem>>) src(%dma_wait3A_26 : memref<40960xf32, #tpu.memory_space<hbm>>) dst(%arg11 : memref<128xf32, #tpu.memory_space<vmem>>)
      %mul3A_27 = arith.constant 128 : i32
      %mul3A_28 = arith.muli %arg1, %mul3A_27 : i32
      "tpu.region"() ({
        %run_scoped3A = tpu.sem_alloc : memref<!tpu.dma_semaphore, #tpu.memory_space<semaphore_mem>>
        %dma_start3A_34 = tpu.memref_slice %arg12[%mul3A_28] : memref<2048xf32, #tpu.memory_space<vmem_shared>> -> memref<128xf32, #tpu.memory_space<vmem_shared>>
        %dma_start3A_35 = tpu.memref_slice %arg12[%mul3A_28] : memref<2048xf32, #tpu.memory_space<vmem_shared>> -> memref<128xf32, #tpu.memory_space<vmem_shared>>
        tpu.enqueue_dma source(%arg10 : memref<128xf32, #tpu.memory_space<vmem>>) target(%dma_start3A_35 : memref<128xf32, #tpu.memory_space<vmem_shared>>) target_semaphore(%run_scoped3A : memref<!tpu.dma_semaphore, #tpu.memory_space<semaphore_mem>>)
        %dma_wait3A_36 = tpu.memref_slice %arg12[%mul3A_28] : memref<2048xf32, #tpu.memory_space<vmem_shared>> -> memref<128xf32, #tpu.memory_space<vmem_shared>>
        %dma_wait3A_37 = tpu.memref_slice %arg12[%mul3A_28] : memref<2048xf32, #tpu.memory_space<vmem_shared>> -> memref<128xf32, #tpu.memory_space<vmem_shared>>
        tpu.wait_dma2 semaphore(%run_scoped3A : memref<!tpu.dma_semaphore, #tpu.memory_space<semaphore_mem>>) src(%arg10 : memref<128xf32, #tpu.memory_space<vmem>>) dst(%dma_wait3A_37 : memref<128xf32, #tpu.memory_space<vmem_shared>>)
        tpu.yield
      }) : () -> ()
      "tpu.region"() ({
        %run_scoped3A = tpu.sem_alloc : memref<!tpu.dma_semaphore, #tpu.memory_space<semaphore_mem>>
        %dma_start3A_34 = arith.constant 0 : i32
        %dma_start3A_35 = tpu.memref_slice %arg12[%dma_start3A_34] : memref<2048xf32, #tpu.memory_space<vmem_shared>> -> memref<2048xf32, #tpu.memory_space<vmem_shared>>
        tpu.enqueue_indirect_dma source(%arg11 : memref<128xf32, #tpu.memory_space<vmem>>) target(%dma_start3A_35 : memref<2048xf32, #tpu.memory_space<vmem_shared>>) offsets(%arg9 : memref<128xi32, #tpu.memory_space<vmem>>) semaphore(%run_scoped3A : memref<!tpu.dma_semaphore, #tpu.memory_space<semaphore_mem>>) {add = true}
        %dma_wait3A_36 = arith.constant 0 : i32
        %dma_wait3A_37 = tpu.memref_slice %arg12[%dma_wait3A_36] : memref<2048xf32, #tpu.memory_space<vmem_shared>> -> memref<2048xf32, #tpu.memory_space<vmem_shared>>
        tpu.wait_indirect_dma semaphore(%run_scoped3A : memref<!tpu.dma_semaphore, #tpu.memory_space<semaphore_mem>>) src(%arg11 : memref<128xf32, #tpu.memory_space<vmem>>) dst(%dma_wait3A_37 : memref<2048xf32, #tpu.memory_space<vmem_shared>>)
        tpu.yield
      }) : () -> ()
      %mul3A_29 = arith.constant 128 : i32
      %mul3A_30 = arith.muli %arg1, %mul3A_29 : i32
      %mul3A_31 = arith.constant 128 : i32
      %mul3A_32 = arith.muli %scan3A_8, %mul3A_31 : i32
      %add3A_33 = arith.addi %mul3A_2, %mul3A_32 : i32
      "tpu.region"() ({
        %run_scoped3A = tpu.sem_alloc : memref<!tpu.dma_semaphore, #tpu.memory_space<semaphore_mem>>
        %dma_start3A_34 = tpu.memref_slice %arg6[%add3A_33] : memref<1282048xf32, #tpu.memory_space<hbm>> -> memref<128xf32, #tpu.memory_space<hbm>>
        %dma_start3A_35 = tpu.memref_slice %arg12[%mul3A_30] : memref<2048xf32, #tpu.memory_space<vmem_shared>> -> memref<128xf32, #tpu.memory_space<vmem_shared>>
        tpu.enqueue_dma source(%dma_start3A_35 : memref<128xf32, #tpu.memory_space<vmem_shared>>) target(%dma_start3A_34 : memref<128xf32, #tpu.memory_space<hbm>>) target_semaphore(%run_scoped3A : memref<!tpu.dma_semaphore, #tpu.memory_space<semaphore_mem>>)
        %dma_wait3A_36 = tpu.memref_slice %arg6[%add3A_33] : memref<1282048xf32, #tpu.memory_space<hbm>> -> memref<128xf32, #tpu.memory_space<hbm>>
        %dma_wait3A_37 = tpu.memref_slice %arg12[%mul3A_30] : memref<2048xf32, #tpu.memory_space<vmem_shared>> -> memref<128xf32, #tpu.memory_space<vmem_shared>>
        tpu.wait_dma2 semaphore(%run_scoped3A : memref<!tpu.dma_semaphore, #tpu.memory_space<semaphore_mem>>) src(%dma_wait3A_37 : memref<128xf32, #tpu.memory_space<vmem_shared>>) dst(%dma_wait3A_36 : memref<128xf32, #tpu.memory_space<hbm>>)
        tpu.yield
      }) : () -> ()
    }
    %scan3A_7 = arith.constant 313 : i32
    return
  }
}

module attributes {stable_mosaic.version = 14 : i64} {
  func.func @body(%arg0: memref<10240x128xf32, #tpu.memory_space<vmem>>, %arg1: memref<128x128xf32, #tpu.memory_space<vmem>>, %arg2: memref<10240x1xf32, #tpu.memory_space<vmem>>, %arg3: memref<10240x1xf32, #tpu.memory_space<vmem>>, %arg4: memref<10240x128xf32, #tpu.memory_space<vmem>>) attributes {dimension_semantics = [], scalar_prefetch = 0 : i64, scratch_operands = 0 : i64, tpu.core_type = #tpu.core_type<tc>} {
    %get3A = arith.constant 0 : index
    %get3A_0 = arith.constant 0 : index
    %get3A_1 = vector.load %arg2[%get3A, %get3A_0] : memref<10240x1xf32, #tpu.memory_space<vmem>>, vector<10240x1xf32>
    %get3A_2 = arith.constant 0 : index
    %get3A_3 = arith.constant 0 : index
    %get3A_4 = vector.load %arg3[%get3A_2, %get3A_3] : memref<10240x1xf32, #tpu.memory_space<vmem>>, vector<10240x1xf32>
    %add3A = arith.addf %get3A_1, %get3A_4 : vector<10240x1xf32>
    %add3A_5 = arith.constant 1.000000e+00 : f32
    %add3A_6 = vector.broadcast %add3A_5 : f32 to vector<10240x1xf32>
    %add3A_7 = arith.addf %add3A, %add3A_6 : vector<10240x1xf32>
    %rsqrt3A = math.rsqrt %add3A_7 : vector<10240x1xf32>
    %get3A_8 = arith.constant 0 : index
    %get3A_9 = arith.constant 0 : index
    %get3A_10 = vector.load %arg0[%get3A_8, %get3A_9] : memref<10240x128xf32, #tpu.memory_space<vmem>>, vector<10240x128xf32>
    %get3A_11 = arith.constant 0 : index
    %get3A_12 = arith.constant 0 : index
    %get3A_13 = vector.load %arg1[%get3A_11, %get3A_12] : memref<128x128xf32, #tpu.memory_space<vmem>>, vector<128x128xf32>
    %dot_general3A = arith.constant dense<0.000000e+00> : vector<10240x128xf32>
    %dot_general3A_14 = tpu.matmul %get3A_10, %get3A_13, %dot_general3A {dimension_numbers = #tpu.dot_dimension_numbers<[1], [0], [0], [1], [0, 0, 1, 1], [], []>, transpose_lhs_hint = false} : vector<10240x128xf32>, vector<128x128xf32>, vector<10240x128xf32> -> vector<10240x128xf32>
    %mul3A = vector.broadcast %rsqrt3A : vector<10240x1xf32> to vector<10240x128xf32>
    %mul3A_15 = arith.mulf %dot_general3A_14, %mul3A : vector<10240x128xf32>
    %swap3A = arith.constant 0 : index
    %swap3A_16 = arith.constant 0 : index
    %swap3A_17 = vector.load %arg4[%swap3A, %swap3A_16] : memref<10240x128xf32, #tpu.memory_space<vmem>>, vector<10240x128xf32>
    tpu.vector_store %arg4[%swap3A, %swap3A_16], %mul3A_15 {strides = array<i32>} : memref<10240x128xf32, #tpu.memory_space<vmem>>, vector<10240x128xf32>,
    return
  }
}

module attributes {stable_mosaic.version = 14 : i64} {
  func.func @body(%arg0: memref<10240x128xf32, #tpu.memory_space<vmem>>, %arg1: memref<10240x128xf32, #tpu.memory_space<vmem>>, %arg2: memref<10240x128xf32, #tpu.memory_space<vmem>>, %arg3: memref<10240x1xf32, #tpu.memory_space<vmem>>, %arg4: memref<10240x1xf32, #tpu.memory_space<vmem>>, %arg5: memref<1x128xf32, #tpu.memory_space<vmem>>, %arg6: memref<128x4xf32, #tpu.memory_space<vmem>>, %arg7: memref<1x4xf32, #tpu.memory_space<vmem>>, %arg8: memref<10240x4xf32, #tpu.memory_space<vmem>>) attributes {dimension_semantics = [], scalar_prefetch = 0 : i64, scratch_operands = 0 : i64, tpu.core_type = #tpu.core_type<tc>} {
    %get3A = arith.constant 0 : index
    %get3A_0 = arith.constant 0 : index
    %get3A_1 = vector.load %arg3[%get3A, %get3A_0] : memref<10240x1xf32, #tpu.memory_space<vmem>>, vector<10240x1xf32>
    %get3A_2 = arith.constant 0 : index
    %get3A_3 = arith.constant 0 : index
    %get3A_4 = vector.load %arg4[%get3A_2, %get3A_3] : memref<10240x1xf32, #tpu.memory_space<vmem>>, vector<10240x1xf32>
    %add3A = arith.addf %get3A_1, %get3A_4 : vector<10240x1xf32>
    %add3A_5 = arith.constant 1.000000e+00 : f32
    %add3A_6 = vector.broadcast %add3A_5 : f32 to vector<10240x1xf32>
    %add3A_7 = arith.addf %add3A, %add3A_6 : vector<10240x1xf32>
    %rsqrt3A = math.rsqrt %add3A_7 : vector<10240x1xf32>
    %get3A_8 = arith.constant 0 : index
    %get3A_9 = arith.constant 0 : index
    %get3A_10 = vector.load %arg0[%get3A_8, %get3A_9] : memref<10240x128xf32, #tpu.memory_space<vmem>>, vector<10240x128xf32>
    %get3A_11 = arith.constant 0 : index
    %get3A_12 = arith.constant 0 : index
    %get3A_13 = vector.load %arg1[%get3A_11, %get3A_12] : memref<10240x128xf32, #tpu.memory_space<vmem>>, vector<10240x128xf32>
    %add3A_14 = arith.addf %get3A_10, %get3A_13 : vector<10240x128xf32>
    %get3A_15 = arith.constant 0 : index
    %get3A_16 = arith.constant 0 : index
    %get3A_17 = vector.load %arg2[%get3A_15, %get3A_16] : memref<10240x128xf32, #tpu.memory_space<vmem>>, vector<10240x128xf32>
    %add3A_18 = arith.addf %add3A_14, %get3A_17 : vector<10240x128xf32>
    %mul3A = vector.broadcast %rsqrt3A : vector<10240x1xf32> to vector<10240x128xf32>
    %mul3A_19 = arith.mulf %mul3A, %add3A_18 : vector<10240x128xf32>
    %get3A_20 = arith.constant 0 : index
    %get3A_21 = arith.constant 0 : index
    %get3A_22 = vector.load %arg5[%get3A_20, %get3A_21] : memref<1x128xf32, #tpu.memory_space<vmem>>, vector<1x128xf32>
    %add3A_23 = vector.broadcast %get3A_22 : vector<1x128xf32> to vector<10240x128xf32>
    %add3A_24 = arith.addf %mul3A_19, %add3A_23 : vector<10240x128xf32>
    %max3A = arith.constant 0.000000e+00 : f32
    %max3A_25 = vector.broadcast %max3A : f32 to vector<10240x128xf32>
    %max3A_26 = arith.maximumf %add3A_24, %max3A_25 : vector<10240x128xf32>
    %get3A_27 = arith.constant 0 : index
    %get3A_28 = arith.constant 0 : index
    %get3A_29 = vector.load %arg6[%get3A_27, %get3A_28] : memref<128x4xf32, #tpu.memory_space<vmem>>, vector<128x4xf32>
    %dot_general3A = arith.constant dense<0.000000e+00> : vector<10240x4xf32>
    %dot_general3A_30 = tpu.matmul %max3A_26, %get3A_29, %dot_general3A {dimension_numbers = #tpu.dot_dimension_numbers<[1], [0], [0], [1], [0, 0, 1, 1], [], []>, transpose_lhs_hint = false} : vector<10240x128xf32>, vector<128x4xf32>, vector<10240x4xf32> -> vector<10240x4xf32>
    %get3A_31 = arith.constant 0 : index
    %get3A_32 = arith.constant 0 : index
    %get3A_33 = vector.load %arg7[%get3A_31, %get3A_32] : memref<1x4xf32, #tpu.memory_space<vmem>>, vector<1x4xf32>
    %add3A_34 = vector.broadcast %get3A_33 : vector<1x4xf32> to vector<10240x4xf32>
    %add3A_35 = arith.addf %dot_general3A_30, %add3A_34 : vector<10240x4xf32>
    %swap3A = arith.constant 0 : index
    %swap3A_36 = arith.constant 0 : index
    %swap3A_37 = vector.load %arg8[%swap3A, %swap3A_36] : memref<10240x4xf32, #tpu.memory_space<vmem>>, vector<10240x4xf32>
    tpu.vector_store %arg8[%swap3A, %swap3A_36], %add3A_35 {strides = array<i32>} : memref<10240x4xf32, #tpu.memory_space<vmem>>, vector<10240x4xf32>,
    return
  }
}

</mosaic_0001>

<sc_bundles>
// kernel: kernel.10.cloned.1.call-start
scs
__scs_entry_jumppad:
0x0: {  	(pc) =	sbr.rel $0x88, $3  }
0x1: {  	(tag) =	ssettag $0x0;
	lr =	simm.s32 $0x1  }
0x2: {  	[smem:$0x3F9B] =	sst lr;
	_ =	strace $0xD0000000  }
0x3: {  	_ = 	snop  }
0x4: {  	_ = 	snop  }
0x5: {  	_ = 	snop  }
0x6: {  	_ = 	snop  }
0x7: {  	_ = 	snop  }
__scs_overlays_trampoline_lowered:
0x8: {  	[smem:$0x3FAA] =	sst s0  }
0x9: {  	[smem:$0x3FAB] =	sst s1  }
0xa: {  	[smem:$0x3FAC] =	sst s2  }
0xb: {  	[smem:$0x3FAD] =	sst s3  }
0xc: {  	[smem:$0x3FAE] =	sst s4  }
0xd: {  	[smem:$0x3FAF] =	sst s5  }
0xe: {  	[smem:$0x3FB0] =	sst s6  }
0xf: {  	[smem:$0x3FB1] =	sst s7  }
0x10: {  	[smem:$0x3FB2] =	sst s8  }
0x11: {  	[smem:$0x3FB3] =	sst s9;
	s0 =	simm.s32 @!p0 $0x0  }
0x12: {  	s1 =	sld [smem:$0x3F99];
	s0 =	simm.s32 @p0 $0x1  }
0x13: {  	[smem:$0x3FB4] =	sst s0;
	s0 =	simm.s32 @!p1 $0x0  }
0x14: {  	s2 =	sld [smem:$0x3F98];
	s0 =	simm.s32 @p1 $0x1  }
0x15: {  	[smem:$0x3FB5] =	sst s0;
	s0 =	simm.s32 @!p2 $0x0  }
0x16: {  	s3 =	sld [smem:$0x3FDB];
	s0 =	simm.s32 @p2 $0x1  }
0x17: {  	s4 =	simm.s32 $0x1BF5;
	[smem:$0x3FB7] =	sst s0  }
0x18: {  	s0 =	sld [smem:$0x3F9A];
	_ =	swait.ge [sflag:s4], $0x0  }
0x19: {  	s7 =	sld [smem:$0x3F9B]  }
0x1a: {  	s8 =	sadd.s32 $0xFFFFE003, lr  }
0x1b: {  	s9 =	sadd.s32 $0xFFFFFEF7, lr;
	s5 =	simm.s32 $0xFFFFFFFF;
	p2 =	slt.u32 s8, $0xFFFFF086  }
0x1c: {  	p1 =	slt.u32 s9, $0xF7A;
	s5 =	simm.s32 @!p2 $0x0  }
0x1d: {  	s5 =	simm.s32 @p1 $0x1;
	p0 =	seq.s32 s7, s2  }
0x1e: {  	s7 =	smul.u32 @!p0 $0xF7A, s2;
	p2 =	seq.s32 @!p0 s5, $0x0  }
0x1f: {  	s9 =	smul.u32 $0xF7A, s1;
	s8 =	simm.s32 @!p0 $0x1BF5;
	p2 =	por !p2, p0  }
0x20: {  	[sflag:s8] =	ssyncset.s32 @!p0 $0xFFFFF086;
	s6 =	sadd.s32 @!p0 s3, s7;
	s7 =	simm.s32 @!p0 $0x108  }
0x21: {  	s3 =	sadd.s32 s3, s9;
	s6 =	sadd.s32 @!p0 $0x88, s6;
	s7 =	simm.s32 @p2 $0x1082  }
0x22: {  	[simem:s7], [sflag:s8] =	dma.local @!p0 [hbm:s6], $0xF7A  }
0x23: {  	s9 =	sor.u32 $0xD0000000, s2;
	s6 =	simm.s32 $0x108;
	_ =	swait.ge @!p0 [sflag:s8], $0x0  }
0x24: {  	s3 =	sadd.s32 $0x88, s3;
	s6 =	simm.s32 @!p1 $0x1082;
	[sflag:s4] =	ssyncset.s32 $0xFFFFF086  }
0x25: {  	[simem:s6], [sflag:s4] =	dma.local [hbm:s3], $0xF7A  }
0x26: {  	[smem:$0x3F9B] =	sst s1;
	(tag) =	ssettag s2;
	_ =	strace s9  }
0x27: {  	s1 =	sld [smem:$0x3FAB]  }
0x28: {  	s2 =	sld [smem:$0x3FAC]  }
0x29: {  	s4 =	sld [smem:$0x3FAE]  }
0x2a: {  	p0 =	seq.s32 s5, $0x0;
	s5 =	sld [smem:$0x3FAF]  }
0x2b: {  	s6 =	sld [smem:$0x3FB0]  }
0x2c: {  	s7 =	sld [smem:$0x3FB1]  }
0x2d: {  	s3 =	simm.s32 $0x108;
	s8 =	sld [smem:$0x3FB2]  }
0x2e: {  	s3 =	simm.s32 @!p0 $0x1082;
	s9 =	sld [smem:$0x3FB3]  }
0x2f: {  	lr =	sadd.s32 s0, s3;
	s0 =	sld [smem:$0x3FAA]  }
0x30: {  	s3 =	sld [smem:$0x3FAD]  }
0x31: {  	[smem:$0x3FB6] =	sst s10  }
0x32: {  	s10 =	sld [smem:$0x3FB4];
	_ =	sdelay $0x3  }
0x33: {  	p0 =	seq.s32 s10, $0x1;
	s10 =	sld [smem:$0x3FB6];
	_ =	sdelay $0x3  }
0x34: {  	[smem:$0x3FB6] =	sst s10  }
0x35: {  	s10 =	sld [smem:$0x3FB5];
	_ =	sdelay $0x3  }
0x36: {  	p1 =	seq.s32 s10, $0x1;
	s10 =	sld [smem:$0x3FB6];
	_ =	sdelay $0x3  }
0x37: {  	[smem:$0x3FB6] =	sst s10  }
0x38: {  	s10 =	sld [smem:$0x3FB7]  }
0x39: {  	_ = 	snop;
	(pc) =	sbr.ind lr, $3  }
0x3a: {  	_ = 	snop  }
0x3b: {  	_ = 	snop  }
0x3c: {  	p2 =	seq.s32 s10, $0x1;
	s10 =	sld [smem:$0x3FB6]  }
0x3d: {  	_ =	shalt  }
0x3e: {  	_ =	shalt  }
0x3f: {  	_ =	shalt  }
0x40: {  	_ =	shalt  }
0x41: {  	_ =	shalt  }
0x42: {  	_ =	shalt  }
0x43: {  	_ =	shalt  }
0x44: {  	_ =	shalt  }
0x45: {  	_ =	shalt  }
0x46: {  	_ =	shalt  }
0x47: {  	_ =	shalt  }
0x48: {  	_ =	shalt  }
0x49: {  	_ =	shalt  }
0x4a: {  	_ =	shalt  }
0x4b: {  	_ =	shalt  }
0x4c: {  	_ =	shalt  }
0x4d: {  	_ =	shalt  }
0x4e: {  	_ =	shalt  }
0x4f: {  	_ =	shalt  }
0x50: {  	_ =	shalt  }
0x51: {  	_ =	shalt  }
0x52: {  	_ =	shalt  }
0x53: {  	_ =	shalt  }
0x54: {  	_ =	shalt  }
0x55: {  	_ =	shalt  }
0x56: {  	_ =	shalt  }
0x57: {  	_ =	shalt  }
0x58: {  	_ =	shalt  }
0x59: {  	_ =	shalt  }
0x5a: {  	_ =	shalt  }
0x5b: {  	_ =	shalt  }
0x5c: {  	_ =	shalt  }
0x5d: {  	_ =	shalt  }
0x5e: {  	_ =	shalt  }
0x5f: {  	_ =	shalt  }
0x60: {  	_ =	shalt  }
0x61: {  	_ =	shalt  }
0x62: {  	_ =	shalt  }
0x63: {  	_ =	shalt  }
0x64: {  	_ =	shalt  }
0x65: {  	_ =	shalt  }
0x66: {  	_ =	shalt  }
0x67: {  	_ =	shalt  }
0x68: {  	_ =	shalt  }
0x69: {  	_ =	shalt  }
0x6a: {  	_ =	shalt  }
0x6b: {  	_ =	shalt  }
0x6c: {  	_ =	shalt  }
0x6d: {  	_ =	shalt  }
0x6e: {  	_ =	shalt  }
0x6f: {  	_ =	shalt  }
0x70: {  	_ =	shalt  }
0x71: {  	_ =	shalt  }
0x72: {  	_ =	shalt  }
0x73: {  	_ =	shalt  }
0x74: {  	_ =	shalt  }
0x75: {  	_ =	shalt  }
0x76: {  	_ =	shalt  }
0x77: {  	_ =	shalt  }
0x78: {  	_ =	shalt  }
0x79: {  	_ =	shalt  }
0x7a: {  	_ =	shalt  }
0x7b: {  	_ =	shalt  }
0x7c: {  	_ =	shalt  }
0x7d: {  	_ =	shalt  }
0x7e: {  	_ =	shalt  }
0x7f: {  	_ =	shalt  }
0x80: {  	_ =	shalt  }
0x81: {  	_ =	shalt  }
0x82: {  	_ =	shalt  }
0x83: {  	_ =	shalt  }
0x84: {  	_ =	shalt  }
0x85: {  	_ =	shalt  }
0x86: {  	_ =	shalt  }
0x87: {  	_ =	shalt  }
.Lfunc_end0:
.L_simem_size_0:
called_computation.1_lowered:
.L_overlay_start_0:
0x88: {  	s2 =	sld [smem:$0x3FD9]  }
0x89: {  	s3 =	sld [smem:$0x3FFE];
	_ =	sdelay $0x1  }
0x8a: {  	s1 =	srdreg.scid  }
0x8b: {  	s0 =	sand.u32 $0x1, s1  }
0x8c: {  	s17 =	sshll.u32 s0, $0xA;
	s2 =	sadd.s32 s3, s2  }
0x8d: {  	s2 =	sadd.s32 s2, s17  }
0x8e: {  	[smem:$0x3FC2] =	sst s2  }
0x8f: {  	_ = 	snop  }
0x90: {  	s2 =	sld [smem:$0x3FD0];
	(tm) =	ssettm $0x1  }
0x91: {  	s18 =	sld [smem:$0x3FFB];
	_ =	sdelay $0x3  }
0x92: {  	_ =	strace s18  }
0x93: {  	s3 =	sld [smem:$0x3FFC];
	_ =	sdelay $0x3  }
0x94: {  	_ =	strace s3  }
0x95: {  	s3 =	sld [smem:$0x3FFD];
	_ =	sdelay $0x3  }
0x96: {  	_ =	strace s3  }
0x97: {  	_ =	strace $0x8FFFFFFF  }
0x98: {  	s19 =	sld [smem:$0x3FDB];
	_ =	sdelay $0x1  }
0x99: {  	s4 =	simm.s32 $_scs_section_size  }
0x9a: {  	s5 =	simm.s32 $_size__tile_overlayer_lowered;
	s6 =	simm.s32 $_tile_overlayer_lowered  }
0x9b: {  	s22 =	simm.s32 $0x1BFF;
	s21 =	sshll.u32 s6, $0x1;
	s3 =	sadd.s32 s4, s19  }
0x9c: {  	s7 =	simm.s32 $0x0;
	s20 =	sshll.u32 s5, $0x1;
	s5 =	sadd.s32 s21, s3  }
0x9d: {  	[timem:s7], [sflag:s22] =	dma.local [hbm:s5], s20  }
0x9e: {  	_ =	swait.ge [sflag:s22], s20  }
0x9f: {  	s4 =	ssub.s32 $0x0, s20;
	[sflag:s22] =	ssyncset.done $0x0  }
0xa0: {  	[sflag:s22] =	ssyncadd.s32 s4;
	_ =	sdelay $0x1  }
0xa1: {  	s23 =	simm.s32 $0x1B8B  }
0xa2: {  	_ =	swait.ge [sflag:s23], $0x1  }
0xa3: {  	[sflag:s23] =	ssyncset.done $0x0  }
0xa4: {  	s25 =	simm.s32 $0x1B8E;
	s24 =	sld [smem:$0x3FFE];
	[sflag:s23] =	ssyncadd.s32 $0xFFFFFFFF  }
0xa5: {  	s26 =	simm.s32 $execute0_lowered;
	[smem:$0x3FD2] =	sst s25  }
0xa6: {  	s5 =	sshll.u32 s26, $0x1;
	_ =	strace $0x80000049;
	[dreg:$0x1] =	wrdreg $0xFFFFFFFF  }
0xa7: {  	s28 =	simm.s32 $_size_execute0_lowered;
	s3 =	sadd.s32 s3, s5;
	[dreg:$0x0] =	wrdreg $0x0  }
0xa8: {  	s5 =	sshll.u32 s28, $0x1;
	[dreg:$0x2] =	wrdreg s3  }
0xa9: {  	[dreg:$0x3] =	wrdreg s5  }
0xaa: {  	[dreg:$0x4] =	wrdreg $0xC0  }
0xab: {  	_ =	task [dreg:s7], $0x5FFFF  }
0xac: {  	[dreg:$0x1] =	wrdreg $0xFFFFFFFF  }
0xad: {  	[dreg:$0x0] =	wrdreg $0x60  }
0xae: {  	[dreg:$0x2] =	wrdreg s24  }
0xaf: {  	[dreg:$0x3] =	wrdreg s2  }
0xb0: {  	[dreg:$0x4] =	wrdreg $0xB0000  }
0xb1: {  	[dreg:$0x5] =	wrdreg $0x9  }
0xb2: {  	_ =	task.clear_ibuf [dreg:s7], $0x6FFFF;
	_ =	strace $0x90000049  }
0xb3: {  	s29 =	simm.s32 $0x9;
	_ =	strace $0x8000004B  }
0xb4: {  	_ =	swait.ge [sflag:s29], $0x1  }
0xb5: {  	[sflag:s29] =	ssyncadd.s32 $0xFFFFFFFF  }
0xb6: {  	_ =	strace $0x9000004B  }
0xb7: {  	_ =	sfence  }
0xb8: {  	s30 =	sld [smem:$0x0];
	_ =	sdelay $0x2  }
0xb9: {  	s31 =	sshll.u32 s1, $0xD;
	s1 =	sshrl.u32 s1, $0x2  }
0xba: {  	s3 =	sand.u32 $0x4000, s31;
	s1 =	sadd.s32 s1, s30  }
0xbb: {  	s0 =	sor.u32 s3, s0;
	s1 =	sshll.u32 s1, $0x11  }
0xbc: {  	s0 =	sor.u32 s1, s0  }
0xbd: {  	s0 =	sadd.s32 $0x8F2B, s0  }
0xbe: {  	[sflag:s0] =	ssyncadd.remote.s32 $0x1  }
0xbf: {  	_ =	sfence.sel $0xFFFF  }
0xc0: {  	[dreg:$0x0] =	wrdreg $0xFFFFFFFF;
	(pc) =	sbr.abs _section_cstart, $3  }
0xc1: {  	[dreg:$0x1] =	wrdreg $0xFFFFFFFF  }
0xc2: {  	_ =	task.clear_ibuf [dreg:s7], $0x2FFFF;
	_ =	strace $0x9FFFFFFF  }
0xc3: {  	(tm) =	ssettm $0x7FFFFFFF  }
tec
execute0_lowered:
.L_overlay_start_1:
0x0: {  	(tag) =	ssettag $0x1  }
0x1: {  	s0 =	rddreg [dreg:$0x0]  }
0x2: {  	s1 =	rddreg [dreg:$0x1]  }
0x3: {  	s2 =	rddreg [dreg:$0x2];
	s4 =	srdreg.scid;
	s3 =	simm.s32 $0x0  }
0x4: {  	s11 =	stileid.u32;
	s28 =	simm.s32 $0xA800;
	s29 =	simm.s32 $0x50  }
0x5: {  	s30 =	simm.s32 $0x8000;
	s31 =	simm.s32 $0x1;
	s5 =	sand.u32 $0x1, s4  }
0x6: {  	[smem:$0x7FF] =	sst s3;
	s7 =	sshll.u32 s11, $0xB;
	s15 =	smul.u32 $0x14000, s11  }
0x7: {  	s4 =	sadd.s32 $0x64C00, s0;
	s17 =	sadd.s32 $0x3E00, s0;
	s18 =	smul.u32 $0x50000, s11  }
0x8: {  	s6 =	sshll.u32 s5, $0xF;
	_ =	strace $0x8000004A;
	s8 =	ssub.s32 $0x2, s5  }
0x9: {  	s16 =	smul.u32 $0x140000, s5;
	[dreg:$0x4] =	wrdreg s17;
	s7 =	sor.u32 s7, s6  }
0xa: {  	s9 =	sshrl.u32 s8, $0x1;
	s12 =	sor.u32 $0x2800, s15;
	s13 =	sadd.s32 $0x5000, s15  }
0xb: {  	s14 =	sadd.s32 $0x7800, s15;
	s24 =	sadd.s32 $0xA000, s15;
	s6 =	sadd.s32 s7, s0  }
0xc: {  	s0 =	sadd.s32 $0x8CC00, s0;
	s10 =	ssub.s32 s8, s9;
	s7 =	sadd.s32 s1, s7  }
0xd: {  	s20 =	sadd.s32 s16, s15;
	s8 =	sshrl.u32 s18, $0x2;
	s21 =	sadd.s32 s16, s12  }
0xe: {  	s22 =	sadd.s32 s16, s13;
	s17 =	sadd.s32 s16, s14;
	s25 =	sadd.s32 s16, s24  }
0xf: {  	s18 =	sadd.s32 $0xC800, s15;
	s19 =	sadd.s32 $0x4C00, s6;
	s1 =	sshrl.u32 s20, $0x3  }
0x10: {  	s8 =	sadd.s32 s8, s2;
	s10 =	smax.u32 s10, $0x1;
	s23 =	sshrl.u32 s17, $0x3  }
0x11: {  	s20 =	sadd.s32 s13, s2;
	s26 =	sadd.s32 s16, s18;
	[dreg:$0x5] =	wrdreg s19  }
0x12: {  	s9 =	sadd.s32 s0, s1;
	s1 =	sshrl.u32 s21, $0x3;
	s19 =	sadd.s32 s12, s2  }
0x13: {  	s13 =	sadd.s32 s0, s23;
	s21 =	sadd.s32 s14, s2;
	s17 =	sshrl.u32 s26, $0x3  }
0x14: {  	s23 =	sadd.s32 $0x11800, s15;
	s20 =	sshrl.u32 s20, $0x3;
	s11 =	sadd.s32 s0, s1  }
0x15: {  	s1 =	sshrl.u32 s22, $0x3;
	s22 =	sadd.s32 $0xF000, s15;
	s15 =	sadd.s32 s0, s17  }
0x16: {  	s26 =	sadd.s32 s23, s2;
	s19 =	sshrl.u32 s19, $0x3;
	s21 =	sshrl.u32 s21, $0x3  }
0x17: {  	s12 =	sadd.s32 s0, s1;
	s1 =	sshrl.u32 s25, $0x3;
	s5 =	sadd.s32 s16, s22  }
0x18: {  	s16 =	sadd.s32 s16, s23;
	s25 =	sadd.s32 s22, s2;
	s14 =	sadd.s32 s0, s1  }
0x19: {  	s1 =	sadd.s32 s24, s2;
	s24 =	sadd.s32 s18, s2;
	s17 =	sshrl.u32 s5, $0x3  }
0x1a: {  	s6 =	sshrl.u32 s16, $0x3;
	s18 =	simm.s32 $0x2;
	s16 =	sadd.s32 s0, s17  }
0x1b: {  	s17 =	sadd.s32 s0, s6;
	s22 =	sshrl.u32 s1, $0x3;
	s23 =	sshrl.u32 s24, $0x3  }
0x1c: {  	s24 =	sshrl.u32 s25, $0x3;
	s25 =	sshrl.u32 s26, $0x3;
	s0 =	simm.s32 $0x0  }
.LBB2_1:
0x1d: {  	s1 =	rddreg [dreg:$0x5]  }
0x1e: {  	[tilespmem:s3], [sflag:$0x2] =	stream.linear.gather [hbm4b:s1+s3], $0x3E80, $0x38;
	[tilespmem:$0x1F000] =	vst v63  }
0x1f: {  	_ =	swait.ge [sflag:s18], $0x3E80  }
0x20: {  	[sflag:s18] =	ssyncset.done $0x0  }
0x21: {  	s5 =	simm.s32 $0x4000;
	[sflag:s18] =	ssyncadd.s32 $0xFFFFC180  }
0x22: {  	[tilespmem:s5], [sflag:$0x2] =	stream.linear.gather [hbm4b:s7+s3], $0x3E80, $0x38;
	[tilespmem:$0x1F000] =	vst v63  }
0x23: {  	_ =	swait.ge [sflag:s18], $0x3E80  }
0x24: {  	[sflag:s18] =	ssyncset.done $0x0  }
0x25: {  	s6 =	rddreg [dreg:$0x4];
	[sflag:s18] =	ssyncadd.s32 $0xFFFFC180  }
0x26: {  	[tilespmem:s28], [sflag:$0x2] =	stream.linear.gather [hbm4b:s6+s3], $0x800, $0x38;
	[tilespmem:$0x1F000] =	vst v63  }
0x27: {  	_ =	swait.ge [sflag:s18], $0x800  }
0x28: {  	[sflag:s18] =	ssyncset.done $0x0  }
0x29: {  	s26 =	sadd.s32 $0x0, s8;
	[sflag:s18] =	ssyncadd.s32 $0xFFFFF800  }
0x2a: {  	[spmem:s26] =	stream.linear.scatter [tilespmem:s28], [sflag:$0x2], $0x800, $0x38;
	[tilespmem:$0x1F000] =	vst v63  }
0x2b: {  	s1 =	simm.s32 $0x2000;
	_ =	swait.ge [sflag:s18], $0x800  }
.LBB2_2:
0x2c: {  	s26 =	sshra.s32 s1, $0x2;
	[sflag:s18] =	ssyncset.done $0x0;
	p0 =	sne.s32 s1, $0x4E000  }
.Ltmp0:
0x2d: {  	s26 =	sadd.s32 s26, s8;
	[sflag:s18] =	ssyncadd.s32 $0xFFFFF800;
	(pc) =	sbr.rel @p0 .LBB2_2-.Ltmp0, $3  }
0x2e: {  	[spmem:s26] =	stream.linear.scatter [tilespmem:s28], [sflag:$0x2], $0x800, $0x38;
	[tilespmem:$0x1F000] =	vst v63  }
0x2f: {  	s1 =	sadd.s32 $0x2000, s1;
	_ =	sdelay $0x1  }
0x30: {  	_ =	swait.ge [sflag:s18], $0x800  }
0x31: {  	[sflag:s18] =	ssyncset.done $0x0  }
0x32: {  	[sflag:s18] =	ssyncadd.s32 $0xFFFFF800  }
0x33: {  	s1 =	simm.s32 $0x0;
	[bflag:$0x0] =	sbarrier.arrive $0xFFFF  }
0x34: {  	[tilespmem:s30], [sflag:$0x1] =	stream.indirect.gather [hbm4b:s4+s29], $0x80, s1, s29, $0xb8;
	[tilespmem:$0x1F000] =	vst v63  }
0x35: {  	_ =	swait.ge [sflag:s31], $0x2800  }
0x36: {  	[sflag:s31] =	ssyncset.done $0x0  }
0x37: {  	s26 =	simm.s32 $0x4000;
	[sflag:s31] =	ssyncadd.s32 $0xFFFFD800  }
0x38: {  	[spmem:s2] =	stream.indirect.scatter.add.f32 [tilespmem:s30], [sflag:$0x2], $0x80, s26, s29, $0xb8;
	[tilespmem:$0x1F000] =	vst v63  }
0x39: {  	_ =	swait.ge [sflag:s18], $0x2800  }
0x3a: {  	s1 =	simm.s32 $0x200;
	s26 =	simm.s32 $0x400;
	[sflag:s18] =	ssyncset.done $0x0  }
.LBB2_4:
0x3b: {  	s5 =	sshra.s32 s1, $0x2  }
0x3c: {  	[sflag:s18] =	ssyncadd.s32 $0xFFFFD800;
	s1 =	smov.u32 s26;
	s6 =	sadd.s32 $0x200, s26  }
0x3d: {  	[tilespmem:s30], [sflag:$0x1] =	stream.indirect.gather [hbm4b:s4+s29], $0x80, s5, s29, $0xb8;
	[tilespmem:$0x1F000] =	vst v63  }
0x3e: {  	p0 =	sne.s32 s26, $0xF800;
	_ =	swait.ge [sflag:s31], $0x2800  }
.Ltmp1:
0x3f: {  	[sflag:s31] =	ssyncset.done $0x0;
	(pc) =	sbr.rel @p0 .LBB2_4-.Ltmp1, $4  }
0x40: {  	s5 =	sadd.s32 $0x4000, s5;
	[sflag:s31] =	ssyncadd.s32 $0xFFFFD800  }
0x41: {  	[spmem:s2] =	stream.indirect.scatter.add.f32 [tilespmem:s30], [sflag:$0x2], $0x80, s5, s29, $0xb8;
	[tilespmem:$0x1F000] =	vst v63  }
0x42: {  	_ =	swait.ge [sflag:s18], $0x2800  }
0x43: {  	s26 =	smov.u32 s6;
	[sflag:s18] =	ssyncset.done $0x0  }
0x44: {  	s1 =	sshra.s32 s1, $0x2;
	[sflag:s18] =	ssyncadd.s32 $0xFFFFD800  }
0x45: {  	[tilespmem:s30], [sflag:$0x1] =	stream.indirect.gather [hbm4b:s4+s29], $0x80, s1, s29, $0xb8;
	[tilespmem:$0x1F000] =	vst v63  }
0x46: {  	_ =	swait.ge [sflag:s31], $0x2800  }
0x47: {  	[sflag:s31] =	ssyncset.done $0x0  }
0x48: {  	s1 =	sadd.s32 $0x4000, s1;
	[sflag:s31] =	ssyncadd.s32 $0xFFFFD800  }
0x49: {  	[spmem:s2] =	stream.indirect.scatter.add.f32 [tilespmem:s30], [sflag:$0x2], $0x80, s1, s29, $0xb8;
	[tilespmem:$0x1F000] =	vst v63  }
0x4a: {  	_ =	swait.ge [sflag:s18], $0x2800  }
0x4b: {  	s26 =	stileid.u32;
	[sflag:s18] =	ssyncset.done $0x0  }
0x4c: {  	s1 =	sshll.u32 s26, $0x6;
	[sflag:s18] =	ssyncadd.s32 $0xFFFFD800  }
0x4d: {  	s5 =	sshrl.u32 s8, $0x3;
	s1 =	sor.u32 $0x1C02, s1;
	[bflag:$0x0] =	sbarrier.arrive $0xFFFF  }
0x4e: {  	[hbm:s9], [sflag:s1] =	dma.local [spmem:s5], $0x500  }
0x4f: {  	_ =	swait.ge [sflag:s18], $0x500  }
0x50: {  	[sflag:s18] =	ssyncset.done $0x0  }
0x51: {  	[sflag:s18] =	ssyncadd.s32 $0xFFFFFB00  }
0x52: {  	[hbm:s11], [sflag:s1] =	dma.local [spmem:s19], $0x500  }
0x53: {  	_ =	swait.ge [sflag:s18], $0x500  }
0x54: {  	[sflag:s18] =	ssyncset.done $0x0  }
0x55: {  	[sflag:s18] =	ssyncadd.s32 $0xFFFFFB00  }
0x56: {  	[hbm:s12], [sflag:s1] =	dma.local [spmem:s20], $0x500  }
0x57: {  	_ =	swait.ge [sflag:s18], $0x500  }
0x58: {  	[sflag:s18] =	ssyncset.done $0x0  }
0x59: {  	[sflag:s18] =	ssyncadd.s32 $0xFFFFFB00  }
0x5a: {  	[hbm:s13], [sflag:s1] =	dma.local [spmem:s21], $0x500  }
0x5b: {  	_ =	swait.ge [sflag:s18], $0x500  }
0x5c: {  	[sflag:s18] =	ssyncset.done $0x0  }
0x5d: {  	[sflag:s18] =	ssyncadd.s32 $0xFFFFFB00  }
0x5e: {  	[hbm:s14], [sflag:s1] =	dma.local [spmem:s22], $0x500  }
0x5f: {  	_ =	swait.ge [sflag:s18], $0x500  }
0x60: {  	[sflag:s18] =	ssyncset.done $0x0  }
0x61: {  	[sflag:s18] =	ssyncadd.s32 $0xFFFFFB00  }
0x62: {  	[hbm:s15], [sflag:s1] =	dma.local [spmem:s23], $0x500  }
0x63: {  	_ =	swait.ge [sflag:s18], $0x500  }
0x64: {  	[sflag:s18] =	ssyncset.done $0x0  }
0x65: {  	[sflag:s18] =	ssyncadd.s32 $0xFFFFFB00  }
0x66: {  	[hbm:s16], [sflag:s1] =	dma.local [spmem:s24], $0x500  }
0x67: {  	s0 =	sadd.s32 $0x1, s0;
	_ =	swait.ge [sflag:s18], $0x500  }
0x68: {  	p0 =	sne.s32 s0, s10;
	[sflag:s18] =	ssyncset.done $0x0  }
.Ltmp2:
0x69: {  	[sflag:s18] =	ssyncadd.s32 $0xFFFFFB00;
	(pc) =	sbr.rel @p0 .LBB2_1-.Ltmp2, $4  }
0x6a: {  	[hbm:s17], [sflag:s1] =	dma.local [spmem:s25], $0x500  }
0x6b: {  	_ =	swait.ge [sflag:s18], $0x500  }
0x6c: {  	[sflag:s18] =	ssyncset.done $0x0  }
0x6d: {  	[sflag:s18] =	ssyncadd.s32 $0xFFFFFB00  }
0x6e: {  	_ =	sfence.sel $0x180000  }
0x6f: {  	[bflag:$0x0] =	sbarrier.arrive $0xFFFF  }
0x70: {  	_ =	strace $0x9000004A  }
0x71: {  	s0 =	stileid.u32;
	[bflag:$0x2] =	sbarrier.arrive $0xFFFF  }
0x72: {  	p0 =	sne.s32 s0, $0x0;
	s0 =	rddreg [dreg:$0x3]  }
0x73: {  	s0 =	sadd.s32 @!p0 $0x100000, s0  }
0x74: {  	[sflag:s0] =	ssyncadd.tile.s32 @!p0 $0x1;
	_ =	shalt  }
.Lfunc_end2:
_tile_overlayer_lowered:
.L_overlay_start_2:
0x75: {  	(tag) =	ssettag $0x2  }
0x76: {  	s0 =	rddreg [dreg:$0x0];
	s2 =	stileid.u32  }
0x77: {  	s1 =	rddreg [dreg:$0x1];
	p0 =	sne.s32 s2, $0x0  }
0x78: {  	s3 =	rddreg [dreg:$0x2];
	[bflag:$0x3] =	sbarrier.arrive $0xFFFF;
	s2 =	simm.s32 @!p0 $0x1C02  }
0x79: {  	[timem:s3], [sflag:s2] =	dma.local @!p0 [hbm:s0], s1  }
0x7a: {  	s0 =	simm.s32 @!p0 $0x2  }
0x7b: {  	_ =	swait.ge @!p0 [sflag:s0], s1  }
0x7c: {  	s1 =	ssub.s32 @!p0 $0x0, s1;
	[sflag:s0] =	ssyncset.done @!p0 $0x0  }
0x7d: {  	[sflag:s0] =	ssyncadd.s32 @!p0 s1  }
0x7e: {  	[bflag:$0x3] =	sbarrier.arrive $0xFFFF  }
0x7f: {  	_ =	shalt  }

// kernel: kernel.13.cloned.1.call-start
scs
__scs_entry_jumppad:
0x0: {  	(pc) =	sbr.rel $0x88, $3  }
0x1: {  	(tag) =	ssettag $0x0;
	lr =	simm.s32 $0x1  }
0x2: {  	[smem:$0x3F9B] =	sst lr;
	_ =	strace $0xD0000000  }
0x3: {  	_ = 	snop  }
0x4: {  	_ = 	snop  }
0x5: {  	_ = 	snop  }
0x6: {  	_ = 	snop  }
0x7: {  	_ = 	snop  }
__scs_overlays_trampoline_lowered:
0x8: {  	[smem:$0x3FAA] =	sst s0  }
0x9: {  	[smem:$0x3FAB] =	sst s1  }
0xa: {  	[smem:$0x3FAC] =	sst s2  }
0xb: {  	[smem:$0x3FAD] =	sst s3  }
0xc: {  	[smem:$0x3FAE] =	sst s4  }
0xd: {  	[smem:$0x3FAF] =	sst s5  }
0xe: {  	[smem:$0x3FB0] =	sst s6  }
0xf: {  	[smem:$0x3FB1] =	sst s7  }
0x10: {  	[smem:$0x3FB2] =	sst s8  }
0x11: {  	[smem:$0x3FB3] =	sst s9;
	s0 =	simm.s32 @!p0 $0x0  }
0x12: {  	s1 =	sld [smem:$0x3F99];
	s0 =	simm.s32 @p0 $0x1  }
0x13: {  	[smem:$0x3FB4] =	sst s0;
	s0 =	simm.s32 @!p1 $0x0  }
0x14: {  	s2 =	sld [smem:$0x3F98];
	s0 =	simm.s32 @p1 $0x1  }
0x15: {  	[smem:$0x3FB5] =	sst s0;
	s0 =	simm.s32 @!p2 $0x0  }
0x16: {  	s3 =	sld [smem:$0x3FDB];
	s0 =	simm.s32 @p2 $0x1  }
0x17: {  	s4 =	simm.s32 $0x1BF5;
	[smem:$0x3FB7] =	sst s0  }
0x18: {  	s0 =	sld [smem:$0x3F9A];
	_ =	swait.ge [sflag:s4], $0x0  }
0x19: {  	s7 =	sld [smem:$0x3F9B]  }
0x1a: {  	s8 =	sadd.s32 $0xFFFFE003, lr  }
0x1b: {  	s9 =	sadd.s32 $0xFFFFFEF7, lr;
	s5 =	simm.s32 $0xFFFFFFFF;
	p2 =	slt.u32 s8, $0xFFFFF086  }
0x1c: {  	p1 =	slt.u32 s9, $0xF7A;
	s5 =	simm.s32 @!p2 $0x0  }
0x1d: {  	s5 =	simm.s32 @p1 $0x1;
	p0 =	seq.s32 s7, s2  }
0x1e: {  	s7 =	smul.u32 @!p0 $0xF7A, s2;
	p2 =	seq.s32 @!p0 s5, $0x0  }
0x1f: {  	s9 =	smul.u32 $0xF7A, s1;
	s8 =	simm.s32 @!p0 $0x1BF5;
	p2 =	por !p2, p0  }
0x20: {  	[sflag:s8] =	ssyncset.s32 @!p0 $0xFFFFF086;
	s6 =	sadd.s32 @!p0 s3, s7;
	s7 =	simm.s32 @!p0 $0x108  }
0x21: {  	s3 =	sadd.s32 s3, s9;
	s6 =	sadd.s32 @!p0 $0x88, s6;
	s7 =	simm.s32 @p2 $0x1082  }
0x22: {  	[simem:s7], [sflag:s8] =	dma.local @!p0 [hbm:s6], $0xF7A  }
0x23: {  	s9 =	sor.u32 $0xD0000000, s2;
	s6 =	simm.s32 $0x108;
	_ =	swait.ge @!p0 [sflag:s8], $0x0  }
0x24: {  	s3 =	sadd.s32 $0x88, s3;
	s6 =	simm.s32 @!p1 $0x1082;
	[sflag:s4] =	ssyncset.s32 $0xFFFFF086  }
0x25: {  	[simem:s6], [sflag:s4] =	dma.local [hbm:s3], $0xF7A  }
0x26: {  	[smem:$0x3F9B] =	sst s1;
	(tag) =	ssettag s2;
	_ =	strace s9  }
0x27: {  	s1 =	sld [smem:$0x3FAB]  }
0x28: {  	s2 =	sld [smem:$0x3FAC]  }
0x29: {  	s4 =	sld [smem:$0x3FAE]  }
0x2a: {  	p0 =	seq.s32 s5, $0x0;
	s5 =	sld [smem:$0x3FAF]  }
0x2b: {  	s6 =	sld [smem:$0x3FB0]  }
0x2c: {  	s7 =	sld [smem:$0x3FB1]  }
0x2d: {  	s3 =	simm.s32 $0x108;
	s8 =	sld [smem:$0x3FB2]  }
0x2e: {  	s3 =	simm.s32 @!p0 $0x1082;
	s9 =	sld [smem:$0x3FB3]  }
0x2f: {  	lr =	sadd.s32 s0, s3;
	s0 =	sld [smem:$0x3FAA]  }
0x30: {  	s3 =	sld [smem:$0x3FAD]  }
0x31: {  	[smem:$0x3FB6] =	sst s10  }
0x32: {  	s10 =	sld [smem:$0x3FB4];
	_ =	sdelay $0x3  }
0x33: {  	p0 =	seq.s32 s10, $0x1;
	s10 =	sld [smem:$0x3FB6];
	_ =	sdelay $0x3  }
0x34: {  	[smem:$0x3FB6] =	sst s10  }
0x35: {  	s10 =	sld [smem:$0x3FB5];
	_ =	sdelay $0x3  }
0x36: {  	p1 =	seq.s32 s10, $0x1;
	s10 =	sld [smem:$0x3FB6];
	_ =	sdelay $0x3  }
0x37: {  	[smem:$0x3FB6] =	sst s10  }
0x38: {  	s10 =	sld [smem:$0x3FB7]  }
0x39: {  	_ = 	snop;
	(pc) =	sbr.ind lr, $3  }
0x3a: {  	_ = 	snop  }
0x3b: {  	_ = 	snop  }
0x3c: {  	p2 =	seq.s32 s10, $0x1;
	s10 =	sld [smem:$0x3FB6]  }
0x3d: {  	_ =	shalt  }
0x3e: {  	_ =	shalt  }
0x3f: {  	_ =	shalt  }
0x40: {  	_ =	shalt  }
0x41: {  	_ =	shalt  }
0x42: {  	_ =	shalt  }
0x43: {  	_ =	shalt  }
0x44: {  	_ =	shalt  }
0x45: {  	_ =	shalt  }
0x46: {  	_ =	shalt  }
0x47: {  	_ =	shalt  }
0x48: {  	_ =	shalt  }
0x49: {  	_ =	shalt  }
0x4a: {  	_ =	shalt  }
0x4b: {  	_ =	shalt  }
0x4c: {  	_ =	shalt  }
0x4d: {  	_ =	shalt  }
0x4e: {  	_ =	shalt  }
0x4f: {  	_ =	shalt  }
0x50: {  	_ =	shalt  }
0x51: {  	_ =	shalt  }
0x52: {  	_ =	shalt  }
0x53: {  	_ =	shalt  }
0x54: {  	_ =	shalt  }
0x55: {  	_ =	shalt  }
0x56: {  	_ =	shalt  }
0x57: {  	_ =	shalt  }
0x58: {  	_ =	shalt  }
0x59: {  	_ =	shalt  }
0x5a: {  	_ =	shalt  }
0x5b: {  	_ =	shalt  }
0x5c: {  	_ =	shalt  }
0x5d: {  	_ =	shalt  }
0x5e: {  	_ =	shalt  }
0x5f: {  	_ =	shalt  }
0x60: {  	_ =	shalt  }
0x61: {  	_ =	shalt  }
0x62: {  	_ =	shalt  }
0x63: {  	_ =	shalt  }
0x64: {  	_ =	shalt  }
0x65: {  	_ =	shalt  }
0x66: {  	_ =	shalt  }
0x67: {  	_ =	shalt  }
0x68: {  	_ =	shalt  }
0x69: {  	_ =	shalt  }
0x6a: {  	_ =	shalt  }
0x6b: {  	_ =	shalt  }
0x6c: {  	_ =	shalt  }
0x6d: {  	_ =	shalt  }
0x6e: {  	_ =	shalt  }
0x6f: {  	_ =	shalt  }
0x70: {  	_ =	shalt  }
0x71: {  	_ =	shalt  }
0x72: {  	_ =	shalt  }
0x73: {  	_ =	shalt  }
0x74: {  	_ =	shalt  }
0x75: {  	_ =	shalt  }
0x76: {  	_ =	shalt  }
0x77: {  	_ =	shalt  }
0x78: {  	_ =	shalt  }
0x79: {  	_ =	shalt  }
0x7a: {  	_ =	shalt  }
0x7b: {  	_ =	shalt  }
0x7c: {  	_ =	shalt  }
0x7d: {  	_ =	shalt  }
0x7e: {  	_ =	shalt  }
0x7f: {  	_ =	shalt  }
0x80: {  	_ =	shalt  }
0x81: {  	_ =	shalt  }
0x82: {  	_ =	shalt  }
0x83: {  	_ =	shalt  }
0x84: {  	_ =	shalt  }
0x85: {  	_ =	shalt  }
0x86: {  	_ =	shalt  }
0x87: {  	_ =	shalt  }
.Lfunc_end0:
.L_simem_size_0:
called_computation.2_lowered:
.L_overlay_start_0:
0x88: {  	s2 =	sld [smem:$0x3FD9]  }
0x89: {  	s3 =	sld [smem:$0x3FFE];
	_ =	sdelay $0x1  }
0x8a: {  	s1 =	srdreg.scid  }
0x8b: {  	s0 =	sand.u32 $0x1, s1  }
0x8c: {  	s17 =	sshll.u32 s0, $0xA;
	s2 =	sadd.s32 s3, s2  }
0x8d: {  	s2 =	sadd.s32 s2, s17  }
0x8e: {  	[smem:$0x3FC2] =	sst s2  }
0x8f: {  	_ = 	snop  }
0x90: {  	s2 =	sld [smem:$0x3FD0];
	(tm) =	ssettm $0x1  }
0x91: {  	s18 =	sld [smem:$0x3FFB];
	_ =	sdelay $0x3  }
0x92: {  	_ =	strace s18  }
0x93: {  	s3 =	sld [smem:$0x3FFC];
	_ =	sdelay $0x3  }
0x94: {  	_ =	strace s3  }
0x95: {  	s3 =	sld [smem:$0x3FFD];
	_ =	sdelay $0x3  }
0x96: {  	_ =	strace s3  }
0x97: {  	_ =	strace $0x8FFFFFFF  }
0x98: {  	s19 =	sld [smem:$0x3FDB];
	_ =	sdelay $0x1  }
0x99: {  	s4 =	simm.s32 $_scs_section_size  }
0x9a: {  	s5 =	simm.s32 $_size__tile_overlayer_lowered;
	s6 =	simm.s32 $_tile_overlayer_lowered  }
0x9b: {  	s22 =	simm.s32 $0x1BFF;
	s21 =	sshll.u32 s6, $0x1;
	s3 =	sadd.s32 s4, s19  }
0x9c: {  	s7 =	simm.s32 $0x0;
	s20 =	sshll.u32 s5, $0x1;
	s5 =	sadd.s32 s21, s3  }
0x9d: {  	[timem:s7], [sflag:s22] =	dma.local [hbm:s5], s20  }
0x9e: {  	_ =	swait.ge [sflag:s22], s20  }
0x9f: {  	s4 =	ssub.s32 $0x0, s20;
	[sflag:s22] =	ssyncset.done $0x0  }
0xa0: {  	[sflag:s22] =	ssyncadd.s32 s4;
	_ =	sdelay $0x1  }
0xa1: {  	s23 =	simm.s32 $0x1B8B  }
0xa2: {  	_ =	swait.ge [sflag:s23], $0x1  }
0xa3: {  	[sflag:s23] =	ssyncset.done $0x0  }
0xa4: {  	s25 =	simm.s32 $0x1B8E;
	s24 =	sld [smem:$0x3FFE];
	[sflag:s23] =	ssyncadd.s32 $0xFFFFFFFF  }
0xa5: {  	s26 =	simm.s32 $execute0_lowered;
	[smem:$0x3FD2] =	sst s25  }
0xa6: {  	s5 =	sshll.u32 s26, $0x1;
	_ =	strace $0x8000004C;
	[dreg:$0x1] =	wrdreg $0xFFFFFFFF  }
0xa7: {  	s28 =	simm.s32 $_size_execute0_lowered;
	s3 =	sadd.s32 s3, s5;
	[dreg:$0x0] =	wrdreg $0x0  }
0xa8: {  	s5 =	sshll.u32 s28, $0x1;
	[dreg:$0x2] =	wrdreg s3  }
0xa9: {  	[dreg:$0x3] =	wrdreg s5  }
0xaa: {  	[dreg:$0x4] =	wrdreg $0xC0  }
0xab: {  	_ =	task [dreg:s7], $0x5FFFF  }
0xac: {  	[dreg:$0x1] =	wrdreg $0xFFFFFFFF  }
0xad: {  	[dreg:$0x0] =	wrdreg $0x60  }
0xae: {  	[dreg:$0x2] =	wrdreg s2  }
0xaf: {  	[dreg:$0x3] =	wrdreg s24  }
0xb0: {  	[dreg:$0x4] =	wrdreg $0x141800  }
0xb1: {  	[dreg:$0x5] =	wrdreg $0x9  }
0xb2: {  	_ =	task.clear_ibuf [dreg:s7], $0x6FFFF;
	_ =	strace $0x9000004C  }
0xb3: {  	s29 =	simm.s32 $0x9;
	_ =	strace $0x8000004E  }
0xb4: {  	_ =	swait.ge [sflag:s29], $0x1  }
0xb5: {  	[sflag:s29] =	ssyncadd.s32 $0xFFFFFFFF  }
0xb6: {  	_ =	strace $0x9000004E  }
0xb7: {  	_ =	sfence  }
0xb8: {  	s30 =	sld [smem:$0x0];
	_ =	sdelay $0x2  }
0xb9: {  	s31 =	sshll.u32 s1, $0xD;
	s1 =	sshrl.u32 s1, $0x2  }
0xba: {  	s3 =	sand.u32 $0x4000, s31;
	s1 =	sadd.s32 s1, s30  }
0xbb: {  	s0 =	sor.u32 s3, s0;
	s1 =	sshll.u32 s1, $0x11  }
0xbc: {  	s0 =	sor.u32 s1, s0  }
0xbd: {  	s0 =	sadd.s32 $0x8F2B, s0  }
0xbe: {  	[sflag:s0] =	ssyncadd.remote.s32 $0x1  }
0xbf: {  	_ =	sfence.sel $0xFFFF  }
0xc0: {  	[dreg:$0x0] =	wrdreg $0xFFFFFFFF;
	(pc) =	sbr.abs _section_cstart, $3  }
0xc1: {  	[dreg:$0x1] =	wrdreg $0xFFFFFFFF  }
0xc2: {  	_ =	task.clear_ibuf [dreg:s7], $0x2FFFF;
	_ =	strace $0x9FFFFFFF  }
0xc3: {  	(tm) =	ssettm $0x7FFFFFFF  }
tec
execute0_lowered:
.L_overlay_start_1:
0x0: {  	(tag) =	ssettag $0x1  }
0x1: {  	s1 =	rddreg [dreg:$0x0]  }
0x2: {  	s6 =	rddreg [dreg:$0x1]  }
0x3: {  	s0 =	srdreg.scid;
	s3 =	rddreg [dreg:$0x2]  }
0x4: {  	s4 =	simm.s32 $0x0;
	s12 =	simm.s32 $0xA000;
	s13 =	simm.s32 $0x14000  }
0x5: {  	s14 =	simm.s32 $0x80;
	s15 =	simm.s32 $0x14080;
	s16 =	simm.s32 $0x14100  }
0x6: {  	s17 =	simm.s32 $0x1;
	s18 =	simm.s32 $0x2;
	s5 =	sand.u32 $0x1, s0  }
0x7: {  	s21 =	simm.s32 $0x0;
	s0 =	stileid.u32;
	s8 =	smul.u32 $0x9C800, s5  }
0x8: {  	[smem:$0x7FF] =	sst s4;
	s2 =	sshll.u32 s5, $0x4;
	s9 =	smul.u32 $0x9C80, s0  }
0x9: {  	s10 =	sshll.u32 s0, $0x4;
	s5 =	ssub.s32 $0x2, s5;
	s31 =	sshll.u32 s0, $0x7  }
0xa: {  	s19 =	sshll.u32 s0, $0x6;
	s2 =	sor.u32 s0, s2;
	s29 =	sadd.s32 s10, s6  }
0xb: {  	s30 =	sshrl.u32 s5, $0x1;
	s19 =	sor.u32 $0x1C03, s19;
	s7 =	smul.u32 $0x1400, s2  }
0xc: {  	s2 =	rddreg [dreg:$0x3];
	s8 =	sadd.s32 s9, s8;
	s10 =	ssub.s32 s5, s30  }
0xd: {  	_ =	strace $0x8000004D;
	s8 =	sshrl.u32 s8, $0x3;
	s9 =	smax.u32 s10, $0x1  }
0xe: {  	s7 =	sadd.s32 s7, s6;
	s11 =	sadd.s32 s8, s6;
	s8 =	sadd.s32 s31, s3  }
0xf: {  	s5 =	sadd.s32 $0xDCC00, s7;
	s6 =	sadd.s32 $0x104C00, s7;
	s7 =	sadd.s32 $0x4000, s29  }
0x10: {  	s10 =	sadd.s32 $0x4200, s11;
	s11 =	simm.s32 $0x3;
	s20 =	sshrl.u32 s8, $0x3  }
.LBB2_1:
0x11: {  	[tilespmem:s4], [sflag:$0x3] =	stream.linear.gather [hbm4b:s5+s4], $0x9C80, $0x38;
	[tilespmem:$0x14200] =	vst v63  }
0x12: {  	_ =	swait.ge [sflag:s11], $0x9C80  }
0x13: {  	[sflag:s11] =	ssyncset.done $0x0  }
0x14: {  	[sflag:s11] =	ssyncadd.s32 $0xFFFF6380  }
0x15: {  	[tilespmem:s12], [sflag:$0x3] =	stream.linear.gather [hbm4b:s6+s4], $0x9C80, $0x38;
	[tilespmem:$0x14200] =	vst v63  }
0x16: {  	_ =	swait.ge [sflag:s11], $0x9C80  }
0x17: {  	[sflag:s11] =	ssyncset.done $0x0  }
0x18: {  	[sflag:s11] =	ssyncadd.s32 $0xFFFF6380  }
0x19: {  	[tilespmem:s13], [sflag:$0x3] =	stream.linear.gather [hbm4b:s7+s4], $0x80, $0x38;
	[tilespmem:$0x14200] =	vst v63  }
0x1a: {  	_ =	swait.ge [sflag:s11], $0x80  }
0x1b: {  	[sflag:s11] =	ssyncset.done $0x0  }
0x1c: {  	s22 =	simm.s32 $0x0;
	[sflag:s11] =	ssyncadd.s32 $0xFFFFFF80  }
0x1d: {  	[tilespmem:s15], [sflag:$0x1] =	stream.indirect.gather [hbm4b:s1+s14], $0x1, s22, s14, $0xb8;
	[tilespmem:$0x14200] =	vst v63  }
0x1e: {  	s31 =	simm.s32 $0xA000  }
0x1f: {  	[tilespmem:s16], [sflag:$0x2] =	stream.indirect.gather [hbm4b:s1+s14], $0x1, s31, s14, $0xb8;
	[tilespmem:$0x14200] =	vst v63  }
0x20: {  	_ =	swait.ge [sflag:s17], $0x80  }
0x21: {  	[sflag:s17] =	ssyncset.done $0x0  }
0x22: {  	[sflag:s17] =	ssyncadd.s32 $0xFFFFFF80  }
0x23: {  	_ =	swait.ge [sflag:s18], $0x80  }
0x24: {  	[sflag:s18] =	ssyncset.done $0x0  }
0x25: {  	[sflag:s18] =	ssyncadd.s32 $0xFFFFFF80  }
0x26: {  	[spmem:s8] =	stream.linear.scatter [tilespmem:s15], [sflag:$0x3], $0x80, $0x38;
	[tilespmem:$0x14200] =	vst v63  }
0x27: {  	_ =	swait.ge [sflag:s11], $0x80  }
0x28: {  	[sflag:s11] =	ssyncset.done $0x0  }
0x29: {  	[sflag:s11] =	ssyncadd.s32 $0xFFFFFF80  }
0x2a: {  	[spmem:s3] =	stream.indirect.scatter.add.f32 [tilespmem:s16], [sflag:$0x3], $0x1, s13, s14, $0xb8;
	[tilespmem:$0x14200] =	vst v63  }
0x2b: {  	_ =	swait.ge [sflag:s11], $0x80  }
0x2c: {  	[sflag:s11] =	ssyncset.done $0x0  }
0x2d: {  	[sflag:s11] =	ssyncadd.s32 $0xFFFFFF80  }
0x2e: {  	[hbm:s10], [sflag:s19] =	dma.local [spmem:s20], $0x10  }
0x2f: {  	s23 =	simm.s32 $0x200;
	_ =	swait.ge [sflag:s11], $0x10  }
0x30: {  	s24 =	simm.s32 $0x400;
	s22 =	sadd.s32 $0x10, s10;
	[sflag:s11] =	ssyncset.done $0x0  }
.LBB2_2:
0x31: {  	s25 =	sshra.s32 s23, $0x2  }
0x32: {  	[sflag:s11] =	ssyncadd.s32 $0xFFFFFFF0;
	s23 =	smov.u32 s24;
	s26 =	sadd.s32 $0x200, s24  }
0x33: {  	[tilespmem:s15], [sflag:$0x1] =	stream.indirect.gather [hbm4b:s1+s14], $0x1, s25, s14, $0xb8;
	[tilespmem:$0x14200] =	vst v63  }
0x34: {  	p0 =	sne.s32 s24, $0x27000;
	s24 =	sadd.s32 $0xA000, s25  }
0x35: {  	[tilespmem:s16], [sflag:$0x2] =	stream.indirect.gather [hbm4b:s1+s14], $0x1, s24, s14, $0xb8;
	[tilespmem:$0x14200] =	vst v63  }
0x36: {  	_ =	swait.ge [sflag:s17], $0x80  }
0x37: {  	[sflag:s17] =	ssyncset.done $0x0  }
0x38: {  	[sflag:s17] =	ssyncadd.s32 $0xFFFFFF80  }
0x39: {  	_ =	swait.ge [sflag:s18], $0x80  }
0x3a: {  	[sflag:s18] =	ssyncset.done $0x0  }
0x3b: {  	[sflag:s18] =	ssyncadd.s32 $0xFFFFFF80  }
0x3c: {  	[spmem:s8] =	stream.linear.scatter [tilespmem:s15], [sflag:$0x3], $0x80, $0x38;
	[tilespmem:$0x14200] =	vst v63  }
0x3d: {  	_ =	swait.ge [sflag:s11], $0x80  }
0x3e: {  	[sflag:s11] =	ssyncset.done $0x0  }
0x3f: {  	[sflag:s11] =	ssyncadd.s32 $0xFFFFFF80  }
0x40: {  	[spmem:s3] =	stream.indirect.scatter.add.f32 [tilespmem:s16], [sflag:$0x3], $0x1, s13, s14, $0xb8;
	[tilespmem:$0x14200] =	vst v63  }
0x41: {  	_ =	swait.ge [sflag:s11], $0x80  }
.Ltmp0:
0x42: {  	[sflag:s11] =	ssyncset.done $0x0;
	(pc) =	sbr.rel @p0 .LBB2_2-.Ltmp0, $4  }
0x43: {  	[sflag:s11] =	ssyncadd.s32 $0xFFFFFF80  }
0x44: {  	[hbm:s22], [sflag:s19] =	dma.local [spmem:s20], $0x10  }
0x45: {  	_ =	swait.ge [sflag:s11], $0x10  }
0x46: {  	s24 =	smov.u32 s26;
	s22 =	sadd.s32 $0x10, s22;
	[sflag:s11] =	ssyncset.done $0x0  }
0x47: {  	s23 =	sshra.s32 s23, $0x2;
	[sflag:s11] =	ssyncadd.s32 $0xFFFFFFF0  }
0x48: {  	[tilespmem:s15], [sflag:$0x1] =	stream.indirect.gather [hbm4b:s1+s14], $0x1, s23, s14, $0xb8;
	[tilespmem:$0x14200] =	vst v63  }
0x49: {  	s23 =	sadd.s32 $0xA000, s23  }
0x4a: {  	[tilespmem:s16], [sflag:$0x2] =	stream.indirect.gather [hbm4b:s1+s14], $0x1, s23, s14, $0xb8;
	[tilespmem:$0x14200] =	vst v63  }
0x4b: {  	_ =	swait.ge [sflag:s17], $0x80  }
0x4c: {  	[sflag:s17] =	ssyncset.done $0x0  }
0x4d: {  	[sflag:s17] =	ssyncadd.s32 $0xFFFFFF80  }
0x4e: {  	_ =	swait.ge [sflag:s18], $0x80  }
0x4f: {  	[sflag:s18] =	ssyncset.done $0x0  }
0x50: {  	[sflag:s18] =	ssyncadd.s32 $0xFFFFFF80  }
0x51: {  	[spmem:s8] =	stream.linear.scatter [tilespmem:s15], [sflag:$0x3], $0x80, $0x38;
	[tilespmem:$0x14200] =	vst v63  }
0x52: {  	_ =	swait.ge [sflag:s11], $0x80  }
0x53: {  	[sflag:s11] =	ssyncset.done $0x0  }
0x54: {  	[sflag:s11] =	ssyncadd.s32 $0xFFFFFF80  }
0x55: {  	[spmem:s3] =	stream.indirect.scatter.add.f32 [tilespmem:s16], [sflag:$0x3], $0x1, s13, s14, $0xb8;
	[tilespmem:$0x14200] =	vst v63  }
0x56: {  	s21 =	sadd.s32 $0x1, s21;
	_ =	swait.ge [sflag:s11], $0x80  }
0x57: {  	p0 =	sne.s32 s21, s9;
	[sflag:s11] =	ssyncset.done $0x0  }
.Ltmp1:
0x58: {  	[sflag:s11] =	ssyncadd.s32 $0xFFFFFF80;
	(pc) =	sbr.rel @p0 .LBB2_1-.Ltmp1, $4  }
0x59: {  	[hbm:s22], [sflag:s19] =	dma.local [spmem:s20], $0x10  }
0x5a: {  	_ =	swait.ge [sflag:s11], $0x10  }
0x5b: {  	[sflag:s11] =	ssyncset.done $0x0  }
0x5c: {  	[sflag:s11] =	ssyncadd.s32 $0xFFFFFFF0  }
0x5d: {  	_ =	sfence.sel $0x180000  }
0x5e: {  	[bflag:$0x0] =	sbarrier.arrive $0xFFFF  }
0x5f: {  	p0 =	sne.s32 s0, $0x0;
	_ =	strace $0x9000004D  }
0x60: {  	s0 =	sadd.s32 @!p0 $0x100000, s2;
	[bflag:$0x2] =	sbarrier.arrive $0xFFFF  }
0x61: {  	[sflag:s0] =	ssyncadd.tile.s32 @!p0 $0x1;
	_ =	shalt  }
.Lfunc_end2:
_tile_overlayer_lowered:
.L_overlay_start_2:
0x62: {  	(tag) =	ssettag $0x2  }
0x63: {  	s0 =	rddreg [dreg:$0x0];
	s2 =	stileid.u32  }
0x64: {  	s1 =	rddreg [dreg:$0x1];
	p0 =	sne.s32 s2, $0x0  }
0x65: {  	s3 =	rddreg [dreg:$0x2];
	[bflag:$0x3] =	sbarrier.arrive $0xFFFF;
	s2 =	simm.s32 @!p0 $0x1C03  }
0x66: {  	[timem:s3], [sflag:s2] =	dma.local @!p0 [hbm:s0], s1  }
0x67: {  	s0 =	simm.s32 @!p0 $0x3  }
0x68: {  	_ =	swait.ge @!p0 [sflag:s0], s1  }
0x69: {  	s1 =	ssub.s32 @!p0 $0x0, s1;
	[sflag:s0] =	ssyncset.done @!p0 $0x0  }
0x6a: {  	[sflag:s0] =	ssyncadd.s32 @!p0 s1  }
0x6b: {  	[bflag:$0x3] =	sbarrier.arrive $0xFFFF  }
0x6c: {  	_ =	shalt  }

// kernel: kernel.7.cloned.1.call-start
scs
__scs_entry_jumppad:
0x0: {  	(pc) =	sbr.rel $0x88, $3  }
0x1: {  	(tag) =	ssettag $0x0;
	lr =	simm.s32 $0x1  }
0x2: {  	[smem:$0x3F9B] =	sst lr;
	_ =	strace $0xD0000000  }
0x3: {  	_ = 	snop  }
0x4: {  	_ = 	snop  }
0x5: {  	_ = 	snop  }
0x6: {  	_ = 	snop  }
0x7: {  	_ = 	snop  }
__scs_overlays_trampoline_lowered:
0x8: {  	[smem:$0x3FAA] =	sst s0  }
0x9: {  	[smem:$0x3FAB] =	sst s1  }
0xa: {  	[smem:$0x3FAC] =	sst s2  }
0xb: {  	[smem:$0x3FAD] =	sst s3  }
0xc: {  	[smem:$0x3FAE] =	sst s4  }
0xd: {  	[smem:$0x3FAF] =	sst s5  }
0xe: {  	[smem:$0x3FB0] =	sst s6  }
0xf: {  	[smem:$0x3FB1] =	sst s7  }
0x10: {  	[smem:$0x3FB2] =	sst s8  }
0x11: {  	[smem:$0x3FB3] =	sst s9;
	s0 =	simm.s32 @!p0 $0x0  }
0x12: {  	s1 =	sld [smem:$0x3F99];
	s0 =	simm.s32 @p0 $0x1  }
0x13: {  	[smem:$0x3FB4] =	sst s0;
	s0 =	simm.s32 @!p1 $0x0  }
0x14: {  	s2 =	sld [smem:$0x3F98];
	s0 =	simm.s32 @p1 $0x1  }
0x15: {  	[smem:$0x3FB5] =	sst s0;
	s0 =	simm.s32 @!p2 $0x0  }
0x16: {  	s3 =	sld [smem:$0x3FDB];
	s0 =	simm.s32 @p2 $0x1  }
0x17: {  	s4 =	simm.s32 $0x1BF5;
	[smem:$0x3FB7] =	sst s0  }
0x18: {  	s0 =	sld [smem:$0x3F9A];
	_ =	swait.ge [sflag:s4], $0x0  }
0x19: {  	s7 =	sld [smem:$0x3F9B]  }
0x1a: {  	s8 =	sadd.s32 $0xFFFFE003, lr  }
0x1b: {  	s9 =	sadd.s32 $0xFFFFFEF7, lr;
	s5 =	simm.s32 $0xFFFFFFFF;
	p2 =	slt.u32 s8, $0xFFFFF086  }
0x1c: {  	p1 =	slt.u32 s9, $0xF7A;
	s5 =	simm.s32 @!p2 $0x0  }
0x1d: {  	s5 =	simm.s32 @p1 $0x1;
	p0 =	seq.s32 s7, s2  }
0x1e: {  	s7 =	smul.u32 @!p0 $0xF7A, s2;
	p2 =	seq.s32 @!p0 s5, $0x0  }
0x1f: {  	s9 =	smul.u32 $0xF7A, s1;
	s8 =	simm.s32 @!p0 $0x1BF5;
	p2 =	por !p2, p0  }
0x20: {  	[sflag:s8] =	ssyncset.s32 @!p0 $0xFFFFF086;
	s6 =	sadd.s32 @!p0 s3, s7;
	s7 =	simm.s32 @!p0 $0x108  }
0x21: {  	s3 =	sadd.s32 s3, s9;
	s6 =	sadd.s32 @!p0 $0x88, s6;
	s7 =	simm.s32 @p2 $0x1082  }
0x22: {  	[simem:s7], [sflag:s8] =	dma.local @!p0 [hbm:s6], $0xF7A  }
0x23: {  	s9 =	sor.u32 $0xD0000000, s2;
	s6 =	simm.s32 $0x108;
	_ =	swait.ge @!p0 [sflag:s8], $0x0  }
0x24: {  	s3 =	sadd.s32 $0x88, s3;
	s6 =	simm.s32 @!p1 $0x1082;
	[sflag:s4] =	ssyncset.s32 $0xFFFFF086  }
0x25: {  	[simem:s6], [sflag:s4] =	dma.local [hbm:s3], $0xF7A  }
0x26: {  	[smem:$0x3F9B] =	sst s1;
	(tag) =	ssettag s2;
	_ =	strace s9  }
0x27: {  	s1 =	sld [smem:$0x3FAB]  }
0x28: {  	s2 =	sld [smem:$0x3FAC]  }
0x29: {  	s4 =	sld [smem:$0x3FAE]  }
0x2a: {  	p0 =	seq.s32 s5, $0x0;
	s5 =	sld [smem:$0x3FAF]  }
0x2b: {  	s6 =	sld [smem:$0x3FB0]  }
0x2c: {  	s7 =	sld [smem:$0x3FB1]  }
0x2d: {  	s3 =	simm.s32 $0x108;
	s8 =	sld [smem:$0x3FB2]  }
0x2e: {  	s3 =	simm.s32 @!p0 $0x1082;
	s9 =	sld [smem:$0x3FB3]  }
0x2f: {  	lr =	sadd.s32 s0, s3;
	s0 =	sld [smem:$0x3FAA]  }
0x30: {  	s3 =	sld [smem:$0x3FAD]  }
0x31: {  	[smem:$0x3FB6] =	sst s10  }
0x32: {  	s10 =	sld [smem:$0x3FB4];
	_ =	sdelay $0x3  }
0x33: {  	p0 =	seq.s32 s10, $0x1;
	s10 =	sld [smem:$0x3FB6];
	_ =	sdelay $0x3  }
0x34: {  	[smem:$0x3FB6] =	sst s10  }
0x35: {  	s10 =	sld [smem:$0x3FB5];
	_ =	sdelay $0x3  }
0x36: {  	p1 =	seq.s32 s10, $0x1;
	s10 =	sld [smem:$0x3FB6];
	_ =	sdelay $0x3  }
0x37: {  	[smem:$0x3FB6] =	sst s10  }
0x38: {  	s10 =	sld [smem:$0x3FB7]  }
0x39: {  	_ = 	snop;
	(pc) =	sbr.ind lr, $3  }
0x3a: {  	_ = 	snop  }
0x3b: {  	_ = 	snop  }
0x3c: {  	p2 =	seq.s32 s10, $0x1;
	s10 =	sld [smem:$0x3FB6]  }
0x3d: {  	_ =	shalt  }
0x3e: {  	_ =	shalt  }
0x3f: {  	_ =	shalt  }
0x40: {  	_ =	shalt  }
0x41: {  	_ =	shalt  }
0x42: {  	_ =	shalt  }
0x43: {  	_ =	shalt  }
0x44: {  	_ =	shalt  }
0x45: {  	_ =	shalt  }
0x46: {  	_ =	shalt  }
0x47: {  	_ =	shalt  }
0x48: {  	_ =	shalt  }
0x49: {  	_ =	shalt  }
0x4a: {  	_ =	shalt  }
0x4b: {  	_ =	shalt  }
0x4c: {  	_ =	shalt  }
0x4d: {  	_ =	shalt  }
0x4e: {  	_ =	shalt  }
0x4f: {  	_ =	shalt  }
0x50: {  	_ =	shalt  }
0x51: {  	_ =	shalt  }
0x52: {  	_ =	shalt  }
0x53: {  	_ =	shalt  }
0x54: {  	_ =	shalt  }
0x55: {  	_ =	shalt  }
0x56: {  	_ =	shalt  }
0x57: {  	_ =	shalt  }
0x58: {  	_ =	shalt  }
0x59: {  	_ =	shalt  }
0x5a: {  	_ =	shalt  }
0x5b: {  	_ =	shalt  }
0x5c: {  	_ =	shalt  }
0x5d: {  	_ =	shalt  }
0x5e: {  	_ =	shalt  }
0x5f: {  	_ =	shalt  }
0x60: {  	_ =	shalt  }
0x61: {  	_ =	shalt  }
0x62: {  	_ =	shalt  }
0x63: {  	_ =	shalt  }
0x64: {  	_ =	shalt  }
0x65: {  	_ =	shalt  }
0x66: {  	_ =	shalt  }
0x67: {  	_ =	shalt  }
0x68: {  	_ =	shalt  }
0x69: {  	_ =	shalt  }
0x6a: {  	_ =	shalt  }
0x6b: {  	_ =	shalt  }
0x6c: {  	_ =	shalt  }
0x6d: {  	_ =	shalt  }
0x6e: {  	_ =	shalt  }
0x6f: {  	_ =	shalt  }
0x70: {  	_ =	shalt  }
0x71: {  	_ =	shalt  }
0x72: {  	_ =	shalt  }
0x73: {  	_ =	shalt  }
0x74: {  	_ =	shalt  }
0x75: {  	_ =	shalt  }
0x76: {  	_ =	shalt  }
0x77: {  	_ =	shalt  }
0x78: {  	_ =	shalt  }
0x79: {  	_ =	shalt  }
0x7a: {  	_ =	shalt  }
0x7b: {  	_ =	shalt  }
0x7c: {  	_ =	shalt  }
0x7d: {  	_ =	shalt  }
0x7e: {  	_ =	shalt  }
0x7f: {  	_ =	shalt  }
0x80: {  	_ =	shalt  }
0x81: {  	_ =	shalt  }
0x82: {  	_ =	shalt  }
0x83: {  	_ =	shalt  }
0x84: {  	_ =	shalt  }
0x85: {  	_ =	shalt  }
0x86: {  	_ =	shalt  }
0x87: {  	_ =	shalt  }
.Lfunc_end0:
.L_simem_size_0:
called_computation_lowered:
.L_overlay_start_0:
0x88: {  	s2 =	sld [smem:$0x3FD9]  }
0x89: {  	s3 =	sld [smem:$0x3FFE];
	_ =	sdelay $0x1  }
0x8a: {  	s1 =	srdreg.scid  }
0x8b: {  	s0 =	sand.u32 $0x1, s1  }
0x8c: {  	s17 =	sshll.u32 s0, $0xA;
	s2 =	sadd.s32 s3, s2  }
0x8d: {  	s2 =	sadd.s32 s2, s17  }
0x8e: {  	[smem:$0x3FC2] =	sst s2  }
0x8f: {  	_ = 	snop  }
0x90: {  	s2 =	sld [smem:$0x3FD0];
	(tm) =	ssettm $0x1  }
0x91: {  	s18 =	sld [smem:$0x3FFB];
	_ =	sdelay $0x3  }
0x92: {  	_ =	strace s18  }
0x93: {  	s3 =	sld [smem:$0x3FFC];
	_ =	sdelay $0x3  }
0x94: {  	_ =	strace s3  }
0x95: {  	s3 =	sld [smem:$0x3FFD];
	_ =	sdelay $0x3  }
0x96: {  	_ =	strace s3  }
0x97: {  	_ =	strace $0x8FFFFFFF  }
0x98: {  	s19 =	sld [smem:$0x3FDB];
	_ =	sdelay $0x1  }
0x99: {  	s4 =	simm.s32 $_scs_section_size  }
0x9a: {  	s5 =	simm.s32 $_size__tile_overlayer_lowered;
	s6 =	simm.s32 $_tile_overlayer_lowered  }
0x9b: {  	s22 =	simm.s32 $0x1BFF;
	s21 =	sshll.u32 s6, $0x1;
	s3 =	sadd.s32 s4, s19  }
0x9c: {  	s7 =	simm.s32 $0x0;
	s20 =	sshll.u32 s5, $0x1;
	s5 =	sadd.s32 s21, s3  }
0x9d: {  	[timem:s7], [sflag:s22] =	dma.local [hbm:s5], s20  }
0x9e: {  	_ =	swait.ge [sflag:s22], s20  }
0x9f: {  	s4 =	ssub.s32 $0x0, s20;
	[sflag:s22] =	ssyncset.done $0x0  }
0xa0: {  	[sflag:s22] =	ssyncadd.s32 s4;
	_ =	sdelay $0x1  }
0xa1: {  	s23 =	simm.s32 $0x1B8B  }
0xa2: {  	_ =	swait.ge [sflag:s23], $0x1  }
0xa3: {  	[sflag:s23] =	ssyncset.done $0x0  }
0xa4: {  	s25 =	simm.s32 $0x1B8E;
	s24 =	sld [smem:$0x3FFE];
	[sflag:s23] =	ssyncadd.s32 $0xFFFFFFFF  }
0xa5: {  	s26 =	simm.s32 $execute0_lowered;
	[smem:$0x3FD2] =	sst s25  }
0xa6: {  	s5 =	sshll.u32 s26, $0x1;
	_ =	strace $0x80000046;
	[dreg:$0x1] =	wrdreg $0xFFFFFFFF  }
0xa7: {  	s28 =	simm.s32 $_size_execute0_lowered;
	s3 =	sadd.s32 s3, s5;
	[dreg:$0x0] =	wrdreg $0x0  }
0xa8: {  	s5 =	sshll.u32 s28, $0x1;
	[dreg:$0x2] =	wrdreg s3  }
0xa9: {  	[dreg:$0x3] =	wrdreg s5  }
0xaa: {  	[dreg:$0x4] =	wrdreg $0xC0  }
0xab: {  	_ =	task [dreg:s7], $0x5FFFF  }
0xac: {  	[dreg:$0x1] =	wrdreg $0xFFFFFFFF  }
0xad: {  	[dreg:$0x0] =	wrdreg $0x60  }
0xae: {  	[dreg:$0x2] =	wrdreg s2  }
0xaf: {  	[dreg:$0x3] =	wrdreg s24  }
0xb0: {  	[dreg:$0x4] =	wrdreg $0x40800  }
0xb1: {  	[dreg:$0x5] =	wrdreg $0x9  }
0xb2: {  	_ =	task.clear_ibuf [dreg:s7], $0x6FFFF;
	_ =	strace $0x90000046  }
0xb3: {  	s29 =	simm.s32 $0x9;
	_ =	strace $0x80000048  }
0xb4: {  	_ =	swait.ge [sflag:s29], $0x1  }
0xb5: {  	[sflag:s29] =	ssyncadd.s32 $0xFFFFFFFF  }
0xb6: {  	_ =	strace $0x90000048  }
0xb7: {  	_ =	sfence  }
0xb8: {  	s30 =	sld [smem:$0x0];
	_ =	sdelay $0x2  }
0xb9: {  	s31 =	sshll.u32 s1, $0xD;
	s1 =	sshrl.u32 s1, $0x2  }
0xba: {  	s3 =	sand.u32 $0x4000, s31;
	s1 =	sadd.s32 s1, s30  }
0xbb: {  	s0 =	sor.u32 s3, s0;
	s1 =	sshll.u32 s1, $0x11  }
0xbc: {  	s0 =	sor.u32 s1, s0  }
0xbd: {  	s0 =	sadd.s32 $0x8F2B, s0  }
0xbe: {  	[sflag:s0] =	ssyncadd.remote.s32 $0x1  }
0xbf: {  	_ =	sfence.sel $0xFFFF  }
0xc0: {  	[dreg:$0x0] =	wrdreg $0xFFFFFFFF;
	(pc) =	sbr.abs _section_cstart, $3  }
0xc1: {  	[dreg:$0x1] =	wrdreg $0xFFFFFFFF  }
0xc2: {  	_ =	task.clear_ibuf [dreg:s7], $0x2FFFF;
	_ =	strace $0x9FFFFFFF  }
0xc3: {  	(tm) =	ssettm $0x7FFFFFFF  }
tec
execute0_lowered:
.L_overlay_start_1:
0x0: {  	(tag) =	ssettag $0x1  }
0x1: {  	s6 =	rddreg [dreg:$0x0]  }
0x2: {  	s7 =	rddreg [dreg:$0x1]  }
0x3: {  	s1 =	srdreg.scid;
	s0 =	stileid.u32  }
0x4: {  	s2 =	rddreg [dreg:$0x2];
	s3 =	simm.s32 $0x0;
	s13 =	simm.s32 $0x50  }
0x5: {  	s14 =	simm.s32 $0x0;
	s8 =	sand.u32 $0x1, s1;
	s1 =	rddreg [dreg:$0x3]  }
0x6: {  	s9 =	smul.u32 $0x280, s0;
	[smem:$0x7FF] =	sst s3;
	s5 =	sadd.s32 $0x4000, s7  }
0x7: {  	s11 =	sshll.u32 s0, $0xB;
	s31 =	sshll.u32 s0, $0x6;
	s4 =	smul.u32 $0x2800, s8  }
0x8: {  	_ =	strace $0x80000047;
	s29 =	ssub.s32 $0x2, s8;
	s8 =	sshll.u32 s8, $0xF  }
0x9: {  	s6 =	sadd.s32 s6, s11;
	s11 =	sor.u32 $0x1C01, s31;
	s12 =	sshrl.u32 s29, $0x1  }
0xa: {  	s6 =	sadd.s32 s8, s6;
	s30 =	sadd.s32 s9, s2;
	s10 =	sadd.s32 s9, s4  }
0xb: {  	s4 =	sadd.s32 $0x3E00, s7;
	s9 =	simm.s32 $0x4000;
	s10 =	sshrl.u32 s10, $0x3  }
0xc: {  	s7 =	sadd.s32 s10, s7;
	s10 =	ssub.s32 s29, s12;
	s12 =	sshrl.u32 s30, $0x3  }
0xd: {  	s7 =	sadd.s32 $0x4200, s7;
	s8 =	smax.u32 s10, $0x1;
	s10 =	simm.s32 $0x1  }
.LBB2_1:
0xe: {  	[tilespmem:s9], [sflag:$0x1] =	stream.linear.gather [hbm4b:s4+s3], $0x80, $0x38;
	[tilespmem:$0x4300] =	vst v63  }
0xf: {  	_ =	swait.ge [sflag:s10], $0x80  }
0x10: {  	[sflag:s10] =	ssyncset.done $0x0  }
0x11: {  	[sflag:s10] =	ssyncadd.s32 $0xFFFFFF80  }
0x12: {  	[tilespmem:s3], [sflag:$0x1] =	stream.linear.gather [hbm4b:s6+s3], $0x3E80, $0x38;
	[tilespmem:$0x4300] =	vst v63  }
0x13: {  	_ =	swait.ge [sflag:s10], $0x3E80  }
0x14: {  	[sflag:s10] =	ssyncset.done $0x0  }
0x15: {  	[sflag:s10] =	ssyncadd.s32 $0xFFFFC180  }
0x16: {  	[spmem:s12], [sflag:s11] =	dma.local [hbm:s5], $0x50  }
0x17: {  	_ =	swait.ge [sflag:s10], $0x50  }
0x18: {  	[sflag:s10] =	ssyncset.done $0x0  }
0x19: {  	[sflag:s10] =	ssyncadd.s32 $0xFFFFFFB0  }
0x1a: {  	s15 =	simm.s32 $0x0;
	[bflag:$0x0] =	sbarrier.arrive $0xFFFF  }
0x1b: {  	[spmem:s2] =	stream.indirect.scatter.add.f32 [tilespmem:s9], [sflag:$0x1], $0x1, s15, s13, $0xb8;
	[tilespmem:$0x4300] =	vst v63  }
0x1c: {  	_ =	swait.ge [sflag:s10], $0x50  }
0x1d: {  	s15 =	simm.s32 $0x200;
	[sflag:s10] =	ssyncset.done $0x0  }
.LBB2_2:
0x1e: {  	s16 =	sshra.s32 s15, $0x2;
	[sflag:s10] =	ssyncadd.s32 $0xFFFFFFB0;
	p0 =	sne.s32 s15, $0xF800  }
0x1f: {  	[spmem:s2] =	stream.indirect.scatter.add.f32 [tilespmem:s9], [sflag:$0x1], $0x1, s16, s13, $0xb8;
	[tilespmem:$0x4300] =	vst v63  }
.Ltmp0:
0x20: {  	_ = 	snop;
	(pc) =	sbr.rel @p0 .LBB2_2-.Ltmp0, $4  }
0x21: {  	_ = 	snop  }
0x22: {  	s15 =	sadd.s32 $0x200, s15  }
0x23: {  	_ =	swait.ge [sflag:s10], $0x50  }
0x24: {  	[sflag:s10] =	ssyncset.done $0x0  }
0x25: {  	s14 =	sadd.s32 $0x1, s14  }
0x26: {  	[sflag:s10] =	ssyncadd.s32 $0xFFFFFFB0;
	p0 =	sne.s32 s14, s8  }
.Ltmp1:
0x27: {  	[bflag:$0x0] =	sbarrier.arrive $0xFFFF;
	(pc) =	sbr.rel @p0 .LBB2_1-.Ltmp1, $4  }
0x28: {  	[hbm:s7], [sflag:s11] =	dma.local [spmem:s12], $0x50  }
0x29: {  	_ =	swait.ge [sflag:s10], $0x50  }
0x2a: {  	[sflag:s10] =	ssyncset.done $0x0  }
0x2b: {  	[sflag:s10] =	ssyncadd.s32 $0xFFFFFFB0  }
0x2c: {  	_ =	sfence.sel $0x180000  }
0x2d: {  	[bflag:$0x0] =	sbarrier.arrive $0xFFFF  }
0x2e: {  	p0 =	sne.s32 s0, $0x0;
	_ =	strace $0x90000047  }
0x2f: {  	s0 =	sadd.s32 @!p0 $0x100000, s1;
	[bflag:$0x2] =	sbarrier.arrive $0xFFFF  }
0x30: {  	[sflag:s0] =	ssyncadd.tile.s32 @!p0 $0x1;
	_ =	shalt  }
.Lfunc_end2:
_tile_overlayer_lowered:
.L_overlay_start_2:
0x31: {  	(tag) =	ssettag $0x2  }
0x32: {  	s0 =	rddreg [dreg:$0x0];
	s2 =	stileid.u32  }
0x33: {  	s1 =	rddreg [dreg:$0x1];
	p0 =	sne.s32 s2, $0x0  }
0x34: {  	s3 =	rddreg [dreg:$0x2];
	[bflag:$0x3] =	sbarrier.arrive $0xFFFF;
	s2 =	simm.s32 @!p0 $0x1C01  }
0x35: {  	[timem:s3], [sflag:s2] =	dma.local @!p0 [hbm:s0], s1  }
0x36: {  	s0 =	simm.s32 @!p0 $0x1  }
0x37: {  	_ =	swait.ge @!p0 [sflag:s0], s1  }
0x38: {  	s1 =	ssub.s32 @!p0 $0x0, s1;
	[sflag:s0] =	ssyncset.done @!p0 $0x0  }
0x39: {  	[sflag:s0] =	ssyncadd.s32 @!p0 s1  }
0x3a: {  	[bflag:$0x3] =	sbarrier.arrive $0xFFFF  }
0x3b: {  	_ =	shalt  }

</sc_bundles>
